<compile_context>
chip_gen: v7x
topology: tpu7x:2x2x1
jax: 0.10.2.dev20260603
libtpu: 0.0.44.dev20260713+nightly
codegen_flags: <defaults>
</compile_context>

<pallas_src>
import functools

import jax
import jax.numpy as jnp
from jax import lax
from jax.experimental import pallas as pl
from jax.experimental.pallas import tpu as pltpu
from jax.experimental.pallas import tpu_sc as plsc

_EMBED_DIM = 64
_SEQ_LEN = 200
_K = 10000.0

_NUM_ROWS = 1000000
_BATCH = 4096
_NUM_WORKERS = 32
_ROWS_TOTAL = _BATCH * _SEQ_LEN
_ROWS_PER_W = _ROWS_TOTAL // _NUM_WORKERS
_CHUNK = 80
_CHUNKS_PER_W = _ROWS_PER_W // _CHUNK
_NG = 5
_NO = 3


def _enc_body(o_ref):
    pos = lax.broadcasted_iota(jnp.int32, (_SEQ_LEN, _EMBED_DIM), 0).astype(
        jnp.float32)
    j = lax.broadcasted_iota(jnp.int32, (_SEQ_LEN, _EMBED_DIM), 1)
    i = (j // 2).astype(jnp.float32)
    denom = jnp.exp(i * (2.0 / _EMBED_DIM) * jnp.log(_K))
    ang = pos / denom
    o_ref[...] = jnp.where(j % 2 == 0, jnp.sin(ang), jnp.cos(ang))


def _make_enc():
    return pl.pallas_call(
        _enc_body,
        out_shape=jax.ShapeDtypeStruct((_SEQ_LEN, _EMBED_DIM), jnp.float32),
    )()


_mesh = plsc.VectorSubcoreMesh(core_axis_name="c", subcore_axis_name="s")

_COLS_BLK = 4096


def _detile_body(wt_ref, o_ref):
    eye = jnp.eye(_EMBED_DIM, dtype=jnp.float32)
    t = lax.dot_general(wt_ref[...], eye, (((0,), (0,)), ((), ())),
                        precision=lax.Precision.HIGHEST,
                        preferred_element_type=jnp.float32)
    o_ref[...] = jnp.concatenate([t, t], axis=1)


def _tc_detile(wt):
    return pl.pallas_call(
        _detile_body,
        grid=(pl.cdiv(_NUM_ROWS, _COLS_BLK),),
        in_specs=[pl.BlockSpec((_EMBED_DIM, _COLS_BLK), lambda c: (0, c))],
        out_specs=pl.BlockSpec((_COLS_BLK, 128), lambda c: (c, 0)),
        out_shape=jax.ShapeDtypeStruct((_NUM_ROWS, 128), jnp.float32),
    )(wt)


@functools.partial(
    pl.kernel,
    mesh=_mesh,
    out_type=jax.ShapeDtypeStruct((_ROWS_TOTAL, _EMBED_DIM), jnp.float32),
    scratch_types=[
        pltpu.VMEM((_ROWS_PER_W,), jnp.int32),
        pltpu.VMEM((_SEQ_LEN * _EMBED_DIM,), jnp.float32),
        pltpu.VMEM((_NG, _CHUNK, 128), jnp.float32),
        pltpu.VMEM((_NO, _CHUNK, _EMBED_DIM), jnp.float32),
        pltpu.SemaphoreType.DMA((_NG,)),
        pltpu.SemaphoreType.DMA((_NO,)),
    ],
)
def _sc_gather_add(w_hbm, idx_hbm, enc_hbm, out_hbm,
                   idx_v, enc_v, rows_v, obuf_v, gsem, osem):
    nc = 2
    wid = lax.axis_index("s") * nc + lax.axis_index("c")
    row_base = wid * _ROWS_PER_W

    pltpu.sync_copy(idx_hbm.at[pl.ds(row_base, _ROWS_PER_W)], idx_v)
    pltpu.sync_copy(enc_hbm, enc_v)

    def fire_gather(c, bg):
        pltpu.async_copy(
            w_hbm.at[idx_v.at[pl.ds(c * _CHUNK, _CHUNK)]],
            rows_v.at[bg],
            gsem.at[bg],
        )

    def wait_gather(bg):
        pltpu.make_async_copy(
            w_hbm.at[idx_v.at[pl.ds(0, _CHUNK)]],
            rows_v.at[bg],
            gsem.at[bg],
        ).wait()

    def fire_out(c, bo):
        pltpu.async_copy(
            obuf_v.at[bo],
            out_hbm.at[pl.ds(row_base + c * _CHUNK, _CHUNK), :],
            osem.at[bo],
        )

    def wait_out(bo):
        pltpu.make_async_copy(
            obuf_v.at[bo],
            out_hbm.at[pl.ds(row_base, _CHUNK), :],
            osem.at[bo],
        ).wait()

    for b in range(_NG):
        fire_gather(b, b)

    def add_chunk(bg, bo, eoff):
        def body(l, el):
            for d in range(_EMBED_DIM // 16):
                e = enc_v[pl.ds(el + d * 16, 16)]
                r = rows_v[bg, l, pl.ds(d * 16, 16)]
                obuf_v[bo, l, pl.ds(d * 16, 16)] = r + e
            nel = el + _EMBED_DIM
            return lax.select(
                nel >= _SEQ_LEN * _EMBED_DIM, jnp.int32(0), nel)
        lax.fori_loop(0, _CHUNK, body, eoff * _EMBED_DIM, unroll=8)

    def chunk_body(c, _):
        bg = lax.rem(c, _NG)
        bo = lax.rem(c, _NO)
        eoff = lax.rem(c * _CHUNK, _SEQ_LEN)

        @pl.when(c >= _NO)
        def _():
            wait_out(bo)

        wait_gather(bg)
        add_chunk(bg, bo, eoff)
        fire_out(c, bo)

        @pl.when(c + _NG < _CHUNKS_PER_W)
        def _():
            fire_gather(c + _NG, bg)

        return 0

    lax.fori_loop(0, _CHUNKS_PER_W, chunk_body, 0)
    for b in range(_NO):
        wait_out(b)


def kernel(x, W):
    wp = _tc_detile(jnp.swapaxes(W, 0, 1))
    xf = x.reshape(_ROWS_TOTAL)
    enc = _make_enc().reshape(_SEQ_LEN * _EMBED_DIM)
    out = _sc_gather_add(wp, xf, enc)
    return out.reshape(_BATCH, _SEQ_LEN, _EMBED_DIM)

# --- scband reference (transcript-rebuilt; emitter-appended) ---
"""Pipeline reference for scband-base-transformer-with-sinusoidal-pos-enc-69947837383431 (READ-ONLY COPY).

The authoritative reference and input builder live on the scoring server;
editing this copy changes nothing except your own understanding.
"""

import jax, jax.numpy as jnp
import numpy as np

EMBED_DIM = 64
NUM_EMBEDDINGS = 1000000
K = 10000
BATCH = 4096
SEQ_LEN = 200


def setup_inputs(seed: int = 0) -> dict:
    key = jax.random.key(seed)
    k1, k2 = jax.random.split(key)
    x = jax.random.randint(k1, (BATCH, SEQ_LEN), 0, NUM_EMBEDDINGS, dtype=jnp.int64 if jax.config.jax_enable_x64 else jnp.int32).astype(jnp.int32)
    W = jax.random.normal(k2, (NUM_EMBEDDINGS, EMBED_DIM), dtype=jnp.float32)
    return {"x": x, "W": W}


def _sinusoidal_encoding(seq_len: int, embedding_dim: int, k: float) -> jnp.ndarray:
    pos = jnp.arange(seq_len, dtype=jnp.float32)
    half = embedding_dim // 2
    i = jnp.arange(half, dtype=jnp.float32)
    denom = k ** (2.0 * i / embedding_dim)  # [half]
    angles = pos[:, None] / denom[None, :]  # [seq_len, half]
    sin = jnp.sin(angles)
    cos = jnp.cos(angles)
    enc = jnp.stack([sin, cos], axis=-1).reshape(seq_len, 2 * half)
    if embedding_dim % 2 == 1:
        last = jnp.sin(pos / k)[:, None]
        enc = jnp.concatenate([enc, last], axis=1)
    return enc


def reference(x, W):
    # embedding lookup (gather)
    emb = jnp.take(W, x, axis=0)  # [B, L, D]
    enc = _sinusoidal_encoding(emb.shape[1], emb.shape[2], float(K))  # [L, D]
    return emb + enc[None, :, :]

if __name__ == "__main__":
    import jax
    _d = setup_inputs()
    print(jax.jit(kernel)(*tuple(_d.values())))

</pallas_src>

<mosaic_0001>
#map = affine_map<(d0, d1) -> (0, 0)>
#map1 = affine_map<(d0, d1) -> (0)>
module attributes {stable_mosaic.version = 14 : i64} {
  func.func @_sc_gather_add(%arg0: i32, %arg1: i32, %arg2: memref<1000000x128xf32, #tpu.memory_space<hbm>>, %arg3: memref<819200xi32, #tpu.memory_space<hbm>>, %arg4: memref<12800xf32, #tpu.memory_space<hbm>>, %arg5: memref<819200x64xf32, #tpu.memory_space<hbm>>, %arg6: memref<25600xi32, #tpu.memory_space<vmem>>, %arg7: memref<12800xf32, #tpu.memory_space<vmem>>, %arg8: memref<5x80x128xf32, #tpu.memory_space<vmem>>, %arg9: memref<3x80x64xf32, #tpu.memory_space<vmem>>, %arg10: memref<5x!tpu.dma_semaphore, #tpu.memory_space<semaphore_mem>>, %arg11: memref<3x!tpu.dma_semaphore, #tpu.memory_space<semaphore_mem>>) attributes {dimension_semantics = [#tpu.dimension_semantics<core_parallel>, #tpu.dimension_semantics<subcore_parallel>], iteration_bounds = array<i64: 2, 16>, scalar_prefetch = 0 : i64, scratch_operands = 6 : i64, tpu.core_type = #tpu.core_type<sc_vector_subcore>, window_params = [{transform_indices = #map}, {transform_indices = #map1}, {transform_indices = #map1}, {transform_indices = #map}]} {
    %mul3A = arith.constant 2 : i32
    %mul3A_0 = arith.muli %arg1, %mul3A : i32
    %add3A = arith.addi %mul3A_0, %arg0 : i32
    %mul3A_1 = arith.constant 25600 : i32
    %mul3A_2 = arith.muli %add3A, %mul3A_1 : i32
    "tpu.region"() ({
      %run_scoped3A = tpu.sem_alloc : memref<!tpu.dma_semaphore, #tpu.memory_space<semaphore_mem>>
      %dma_start3A_120 = tpu.memref_slice %arg3[%mul3A_2] : memref<819200xi32, #tpu.memory_space<hbm>> -> memref<25600xi32, #tpu.memory_space<hbm>>
      %dma_start3A_121 = tpu.memref_slice %arg3[%mul3A_2] : memref<819200xi32, #tpu.memory_space<hbm>> -> memref<25600xi32, #tpu.memory_space<hbm>>
      tpu.enqueue_dma source(%dma_start3A_121 : memref<25600xi32, #tpu.memory_space<hbm>>) target(%arg6 : memref<25600xi32, #tpu.memory_space<vmem>>) target_semaphore(%run_scoped3A : memref<!tpu.dma_semaphore, #tpu.memory_space<semaphore_mem>>)
      %dma_wait3A_122 = tpu.memref_slice %arg3[%mul3A_2] : memref<819200xi32, #tpu.memory_space<hbm>> -> memref<25600xi32, #tpu.memory_space<hbm>>
      %dma_wait3A_123 = tpu.memref_slice %arg3[%mul3A_2] : memref<819200xi32, #tpu.memory_space<hbm>> -> memref<25600xi32, #tpu.memory_space<hbm>>
      tpu.wait_dma2 semaphore(%run_scoped3A : memref<!tpu.dma_semaphore, #tpu.memory_space<semaphore_mem>>) src(%dma_wait3A_123 : memref<25600xi32, #tpu.memory_space<hbm>>) dst(%arg6 : memref<25600xi32, #tpu.memory_space<vmem>>)
      tpu.yield
    }) : () -> ()
    "tpu.region"() ({
      %run_scoped3A = tpu.sem_alloc : memref<!tpu.dma_semaphore, #tpu.memory_space<semaphore_mem>>
      tpu.enqueue_dma source(%arg4 : memref<12800xf32, #tpu.memory_space<hbm>>) target(%arg7 : memref<12800xf32, #tpu.memory_space<vmem>>) target_semaphore(%run_scoped3A : memref<!tpu.dma_semaphore, #tpu.memory_space<semaphore_mem>>)
      tpu.wait_dma2 semaphore(%run_scoped3A : memref<!tpu.dma_semaphore, #tpu.memory_space<semaphore_mem>>) src(%arg4 : memref<12800xf32, #tpu.memory_space<hbm>>) dst(%arg7 : memref<12800xf32, #tpu.memory_space<vmem>>)
      tpu.yield
    }) : () -> ()
    %dma_start3A = arith.constant 0 : i32
    %dma_start3A_3 = arith.constant 0 : i32
    %dma_start3A_4 = arith.constant 0 : i32
    %dma_start3A_5 = arith.constant 0 : i32
    %dma_start3A_6 = tpu.memref_slice %arg8[%dma_start3A, %dma_start3A_4, %dma_start3A_5] : memref<5x80x128xf32, #tpu.memory_space<vmem>> -> memref<1x80x128xf32, #tpu.memory_space<vmem>>
    %dma_start3A_7 = tpu.memref_squeeze %dma_start3A_6 : memref<1x80x128xf32, #tpu.memory_space<vmem>> -> memref<80x128xf32, #tpu.memory_space<vmem>>
    %dma_start3A_8 = arith.constant 0 : i32
    %dma_start3A_9 = tpu.memref_slice %arg6[%dma_start3A_8] : memref<25600xi32, #tpu.memory_space<vmem>> -> memref<80xi32, #tpu.memory_space<vmem>>
    %dma_start3A_10 = arith.constant 0 : i32
    %dma_start3A_11 = arith.constant 0 : i32
    %dma_start3A_12 = tpu.memref_slice %arg2[%dma_start3A_10, %dma_start3A_11] : memref<1000000x128xf32, #tpu.memory_space<hbm>> -> memref<1000000x128xf32, #tpu.memory_space<hbm>>
    %dma_start3A_13 = tpu.memref_slice %arg10[%dma_start3A_3] : memref<5x!tpu.dma_semaphore, #tpu.memory_space<semaphore_mem>> -> memref<1x!tpu.dma_semaphore, #tpu.memory_space<semaphore_mem>>
    %dma_start3A_14 = tpu.memref_squeeze %dma_start3A_13 : memref<1x!tpu.dma_semaphore, #tpu.memory_space<semaphore_mem>> -> memref<!tpu.dma_semaphore, #tpu.memory_space<semaphore_mem>>
    tpu.enqueue_indirect_dma source(%dma_start3A_12 : memref<1000000x128xf32, #tpu.memory_space<hbm>>) target(%dma_start3A_7 : memref<80x128xf32, #tpu.memory_space<vmem>>) offsets(%dma_start3A_9 : memref<80xi32, #tpu.memory_space<vmem>>) semaphore(%dma_start3A_14 : memref<!tpu.dma_semaphore, #tpu.memory_space<semaphore_mem>>)
    %dma_start3A_15 = arith.constant 1 : i32
    %dma_start3A_16 = arith.constant 1 : i32
    %dma_start3A_17 = arith.constant 0 : i32
    %dma_start3A_18 = arith.constant 0 : i32
    %dma_start3A_19 = tpu.memref_slice %arg8[%dma_start3A_15, %dma_start3A_17, %dma_start3A_18] : memref<5x80x128xf32, #tpu.memory_space<vmem>> -> memref<1x80x128xf32, #tpu.memory_space<vmem>>
    %dma_start3A_20 = tpu.memref_squeeze %dma_start3A_19 : memref<1x80x128xf32, #tpu.memory_space<vmem>> -> memref<80x128xf32, #tpu.memory_space<vmem>>
    %dma_start3A_21 = arith.constant 80 : i32
    %dma_start3A_22 = tpu.memref_slice %arg6[%dma_start3A_21] : memref<25600xi32, #tpu.memory_space<vmem>> -> memref<80xi32, #tpu.memory_space<vmem>>
    %dma_start3A_23 = arith.constant 0 : i32
    %dma_start3A_24 = arith.constant 0 : i32
    %dma_start3A_25 = tpu.memref_slice %arg2[%dma_start3A_23, %dma_start3A_24] : memref<1000000x128xf32, #tpu.memory_space<hbm>> -> memref<1000000x128xf32, #tpu.memory_space<hbm>>
    %dma_start3A_26 = tpu.memref_slice %arg10[%dma_start3A_16] : memref<5x!tpu.dma_semaphore, #tpu.memory_space<semaphore_mem>> -> memref<1x!tpu.dma_semaphore, #tpu.memory_space<semaphore_mem>>
    %dma_start3A_27 = tpu.memref_squeeze %dma_start3A_26 : memref<1x!tpu.dma_semaphore, #tpu.memory_space<semaphore_mem>> -> memref<!tpu.dma_semaphore, #tpu.memory_space<semaphore_mem>>
    tpu.enqueue_indirect_dma source(%dma_start3A_25 : memref<1000000x128xf32, #tpu.memory_space<hbm>>) target(%dma_start3A_20 : memref<80x128xf32, #tpu.memory_space<vmem>>) offsets(%dma_start3A_22 : memref<80xi32, #tpu.memory_space<vmem>>) semaphore(%dma_start3A_27 : memref<!tpu.dma_semaphore, #tpu.memory_space<semaphore_mem>>)
    %dma_start3A_28 = arith.constant 2 : i32
    %dma_start3A_29 = arith.constant 2 : i32
    %dma_start3A_30 = arith.constant 0 : i32
    %dma_start3A_31 = arith.constant 0 : i32
    %dma_start3A_32 = tpu.memref_slice %arg8[%dma_start3A_28, %dma_start3A_30, %dma_start3A_31] : memref<5x80x128xf32, #tpu.memory_space<vmem>> -> memref<1x80x128xf32, #tpu.memory_space<vmem>>
    %dma_start3A_33 = tpu.memref_squeeze %dma_start3A_32 : memref<1x80x128xf32, #tpu.memory_space<vmem>> -> memref<80x128xf32, #tpu.memory_space<vmem>>
    %dma_start3A_34 = arith.constant 160 : i32
    %dma_start3A_35 = tpu.memref_slice %arg6[%dma_start3A_34] : memref<25600xi32, #tpu.memory_space<vmem>> -> memref<80xi32, #tpu.memory_space<vmem>>
    %dma_start3A_36 = arith.constant 0 : i32
    %dma_start3A_37 = arith.constant 0 : i32
    %dma_start3A_38 = tpu.memref_slice %arg2[%dma_start3A_36, %dma_start3A_37] : memref<1000000x128xf32, #tpu.memory_space<hbm>> -> memref<1000000x128xf32, #tpu.memory_space<hbm>>
    %dma_start3A_39 = tpu.memref_slice %arg10[%dma_start3A_29] : memref<5x!tpu.dma_semaphore, #tpu.memory_space<semaphore_mem>> -> memref<1x!tpu.dma_semaphore, #tpu.memory_space<semaphore_mem>>
    %dma_start3A_40 = tpu.memref_squeeze %dma_start3A_39 : memref<1x!tpu.dma_semaphore, #tpu.memory_space<semaphore_mem>> -> memref<!tpu.dma_semaphore, #tpu.memory_space<semaphore_mem>>
    tpu.enqueue_indirect_dma source(%dma_start3A_38 : memref<1000000x128xf32, #tpu.memory_space<hbm>>) target(%dma_start3A_33 : memref<80x128xf32, #tpu.memory_space<vmem>>) offsets(%dma_start3A_35 : memref<80xi32, #tpu.memory_space<vmem>>) semaphore(%dma_start3A_40 : memref<!tpu.dma_semaphore, #tpu.memory_space<semaphore_mem>>)
    %dma_start3A_41 = arith.constant 3 : i32
    %dma_start3A_42 = arith.constant 3 : i32
    %dma_start3A_43 = arith.constant 0 : i32
    %dma_start3A_44 = arith.constant 0 : i32
    %dma_start3A_45 = tpu.memref_slice %arg8[%dma_start3A_41, %dma_start3A_43, %dma_start3A_44] : memref<5x80x128xf32, #tpu.memory_space<vmem>> -> memref<1x80x128xf32, #tpu.memory_space<vmem>>
    %dma_start3A_46 = tpu.memref_squeeze %dma_start3A_45 : memref<1x80x128xf32, #tpu.memory_space<vmem>> -> memref<80x128xf32, #tpu.memory_space<vmem>>
    %dma_start3A_47 = arith.constant 240 : i32
    %dma_start3A_48 = tpu.memref_slice %arg6[%dma_start3A_47] : memref<25600xi32, #tpu.memory_space<vmem>> -> memref<80xi32, #tpu.memory_space<vmem>>
    %dma_start3A_49 = arith.constant 0 : i32
    %dma_start3A_50 = arith.constant 0 : i32
    %dma_start3A_51 = tpu.memref_slice %arg2[%dma_start3A_49, %dma_start3A_50] : memref<1000000x128xf32, #tpu.memory_space<hbm>> -> memref<1000000x128xf32, #tpu.memory_space<hbm>>
    %dma_start3A_52 = tpu.memref_slice %arg10[%dma_start3A_42] : memref<5x!tpu.dma_semaphore, #tpu.memory_space<semaphore_mem>> -> memref<1x!tpu.dma_semaphore, #tpu.memory_space<semaphore_mem>>
    %dma_start3A_53 = tpu.memref_squeeze %dma_start3A_52 : memref<1x!tpu.dma_semaphore, #tpu.memory_space<semaphore_mem>> -> memref<!tpu.dma_semaphore, #tpu.memory_space<semaphore_mem>>
    tpu.enqueue_indirect_dma source(%dma_start3A_51 : memref<1000000x128xf32, #tpu.memory_space<hbm>>) target(%dma_start3A_46 : memref<80x128xf32, #tpu.memory_space<vmem>>) offsets(%dma_start3A_48 : memref<80xi32, #tpu.memory_space<vmem>>) semaphore(%dma_start3A_53 : memref<!tpu.dma_semaphore, #tpu.memory_space<semaphore_mem>>)
    %dma_start3A_54 = arith.constant 4 : i32
    %dma_start3A_55 = arith.constant 4 : i32
    %dma_start3A_56 = arith.constant 0 : i32
    %dma_start3A_57 = arith.constant 0 : i32
    %dma_start3A_58 = tpu.memref_slice %arg8[%dma_start3A_54, %dma_start3A_56, %dma_start3A_57] : memref<5x80x128xf32, #tpu.memory_space<vmem>> -> memref<1x80x128xf32, #tpu.memory_space<vmem>>
    %dma_start3A_59 = tpu.memref_squeeze %dma_start3A_58 : memref<1x80x128xf32, #tpu.memory_space<vmem>> -> memref<80x128xf32, #tpu.memory_space<vmem>>
    %dma_start3A_60 = arith.constant 320 : i32
    %dma_start3A_61 = tpu.memref_slice %arg6[%dma_start3A_60] : memref<25600xi32, #tpu.memory_space<vmem>> -> memref<80xi32, #tpu.memory_space<vmem>>
    %dma_start3A_62 = arith.constant 0 : i32
    %dma_start3A_63 = arith.constant 0 : i32
    %dma_start3A_64 = tpu.memref_slice %arg2[%dma_start3A_62, %dma_start3A_63] : memref<1000000x128xf32, #tpu.memory_space<hbm>> -> memref<1000000x128xf32, #tpu.memory_space<hbm>>
    %dma_start3A_65 = tpu.memref_slice %arg10[%dma_start3A_55] : memref<5x!tpu.dma_semaphore, #tpu.memory_space<semaphore_mem>> -> memref<1x!tpu.dma_semaphore, #tpu.memory_space<semaphore_mem>>
    %dma_start3A_66 = tpu.memref_squeeze %dma_start3A_65 : memref<1x!tpu.dma_semaphore, #tpu.memory_space<semaphore_mem>> -> memref<!tpu.dma_semaphore, #tpu.memory_space<semaphore_mem>>
    tpu.enqueue_indirect_dma source(%dma_start3A_64 : memref<1000000x128xf32, #tpu.memory_space<hbm>>) target(%dma_start3A_59 : memref<80x128xf32, #tpu.memory_space<vmem>>) offsets(%dma_start3A_61 : memref<80xi32, #tpu.memory_space<vmem>>) semaphore(%dma_start3A_66 : memref<!tpu.dma_semaphore, #tpu.memory_space<semaphore_mem>>)
    %scan3A = arith.constant 0 : i32
    %scan3A_67 = arith.constant 0 : i32
    %scan3A_68 = arith.constant 320 : i32
    %scan3A_69 = arith.addi %scan3A_67, %scan3A_68 : i32
    %scan3A_70 = arith.constant 1 : i32
    %scan3A_71 = scf.for %scan3A_120 = %scan3A_67 to %scan3A_69 step %scan3A_70 iter_args(%scan3A_121 = %scan3A) -> (i32)  : i32 {
      %rem3A = arith.constant 5 : i32
      %rem3A_122 = arith.remsi %scan3A_120, %rem3A : i32
      %rem3A_123 = arith.constant 3 : i32
      %rem3A_124 = arith.remsi %scan3A_120, %rem3A_123 : i32
      %mul3A_125 = arith.constant 80 : i32
      %mul3A_126 = arith.muli %scan3A_120, %mul3A_125 : i32
      %rem3A_127 = arith.constant 200 : i32
      %rem3A_128 = arith.remsi %mul3A_126, %rem3A_127 : i32
      %ge3A = arith.constant 3 : i32
      %ge3A_129 = arith.cmpi sge, %scan3A_120, %ge3A : i32
      %convert_element_type3A = arith.extui %ge3A_129 : i1 to i32
      %cond3A = arith.constant 0 : i32
      %cond3A_130 = arith.cmpi ne, %convert_element_type3A, %cond3A : i32
      scf.if %cond3A_130 {
        %dma_wait3A_174 = arith.constant 0 : i32
        %dma_wait3A_175 = arith.constant 0 : i32
        %dma_wait3A_176 = tpu.memref_slice %arg9[%rem3A_124, %dma_wait3A_174, %dma_wait3A_175] : memref<3x80x64xf32, #tpu.memory_space<vmem>> -> memref<1x80x64xf32, #tpu.memory_space<vmem>>
        %dma_wait3A_177 = tpu.memref_squeeze %dma_wait3A_176 : memref<1x80x64xf32, #tpu.memory_space<vmem>> -> memref<80x64xf32, #tpu.memory_space<vmem>>
        %dma_wait3A_178 = arith.constant 0 : i32
        %dma_wait3A_179 = tpu.memref_slice %arg5[%mul3A_2, %dma_wait3A_178] : memref<819200x64xf32, #tpu.memory_space<hbm>> -> memref<80x64xf32, #tpu.memory_space<hbm>>
        %dma_wait3A_180 = tpu.memref_slice %arg11[%rem3A_124] : memref<3x!tpu.dma_semaphore, #tpu.memory_space<semaphore_mem>> -> memref<1x!tpu.dma_semaphore, #tpu.memory_space<semaphore_mem>>
        %dma_wait3A_181 = tpu.memref_squeeze %dma_wait3A_180 : memref<1x!tpu.dma_semaphore, #tpu.memory_space<semaphore_mem>> -> memref<!tpu.dma_semaphore, #tpu.memory_space<semaphore_mem>>
        %dma_wait3A_182 = arith.constant 0 : i32
        %dma_wait3A_183 = tpu.memref_slice %arg5[%mul3A_2, %dma_wait3A_182] : memref<819200x64xf32, #tpu.memory_space<hbm>> -> memref<80x64xf32, #tpu.memory_space<hbm>>
        %dma_wait3A_184 = arith.constant 0 : i32
        %dma_wait3A_185 = arith.constant 0 : i32
        %dma_wait3A_186 = tpu.memref_slice %arg9[%rem3A_124, %dma_wait3A_184, %dma_wait3A_185] : memref<3x80x64xf32, #tpu.memory_space<vmem>> -> memref<1x80x64xf32, #tpu.memory_space<vmem>>
        %dma_wait3A_187 = tpu.memref_squeeze %dma_wait3A_186 : memref<1x80x64xf32, #tpu.memory_space<vmem>> -> memref<80x64xf32, #tpu.memory_space<vmem>>
        tpu.wait_dma2 semaphore(%dma_wait3A_181 : memref<!tpu.dma_semaphore, #tpu.memory_space<semaphore_mem>>) src(%dma_wait3A_187 : memref<80x64xf32, #tpu.memory_space<vmem>>) dst(%dma_wait3A_183 : memref<80x64xf32, #tpu.memory_space<hbm>>)
      } else {
      }
      %dma_wait3A_131 = arith.constant 0 : i32
      %dma_wait3A_132 = arith.constant 0 : i32
      %dma_wait3A_133 = tpu.memref_slice %arg8[%rem3A_122, %dma_wait3A_131, %dma_wait3A_132] : memref<5x80x128xf32, #tpu.memory_space<vmem>> -> memref<1x80x128xf32, #tpu.memory_space<vmem>>
      %dma_wait3A_134 = tpu.memref_squeeze %dma_wait3A_133 : memref<1x80x128xf32, #tpu.memory_space<vmem>> -> memref<80x128xf32, #tpu.memory_space<vmem>>
      %dma_wait3A_135 = arith.constant 0 : i32
      %dma_wait3A_136 = tpu.memref_slice %arg6[%dma_wait3A_135] : memref<25600xi32, #tpu.memory_space<vmem>> -> memref<80xi32, #tpu.memory_space<vmem>>
      %dma_wait3A_137 = arith.constant 0 : i32
      %dma_wait3A_138 = arith.constant 0 : i32
      %dma_wait3A_139 = tpu.memref_slice %arg2[%dma_wait3A_137, %dma_wait3A_138] : memref<1000000x128xf32, #tpu.memory_space<hbm>> -> memref<1000000x128xf32, #tpu.memory_space<hbm>>
      %dma_wait3A_140 = tpu.memref_slice %arg10[%rem3A_122] : memref<5x!tpu.dma_semaphore, #tpu.memory_space<semaphore_mem>> -> memref<1x!tpu.dma_semaphore, #tpu.memory_space<semaphore_mem>>
      %dma_wait3A_141 = tpu.memref_squeeze %dma_wait3A_140 : memref<1x!tpu.dma_semaphore, #tpu.memory_space<semaphore_mem>> -> memref<!tpu.dma_semaphore, #tpu.memory_space<semaphore_mem>>
      tpu.wait_indirect_dma semaphore(%dma_wait3A_141 : memref<!tpu.dma_semaphore, #tpu.memory_space<semaphore_mem>>) src(%dma_wait3A_139 : memref<1000000x128xf32, #tpu.memory_space<hbm>>) dst(%dma_wait3A_134 : memref<80x128xf32, #tpu.memory_space<vmem>>)
      %mul3A_142 = arith.constant 64 : i32
      %mul3A_143 = arith.muli %rem3A_128, %mul3A_142 : i32
      %scan3A_144 = arith.constant 0 : i32
      %scan3A_145 = arith.constant 80 : i32
      %scan3A_146 = arith.addi %scan3A_144, %scan3A_145 : i32
      %scan3A_147 = arith.constant 8 : i32
      %scan3A_148 = scf.for %scan3A_174 = %scan3A_144 to %scan3A_146 step %scan3A_147 iter_args(%scan3A_175 = %mul3A_143) -> (i32)  : i32 {
        %add3A_176 = arith.constant 0 : i32
        %add3A_177 = arith.addi %scan3A_175, %add3A_176 : i32
        %get3A = arith.index_cast %add3A_177 : i32 to index
        %get3A_178 = tpu.vector_load %arg7[%get3A] {strides = array<i32>} : memref<12800xf32, #tpu.memory_space<vmem>>, vector<16xf32>,
        %get3A_179 = vector.shape_cast %get3A_178 : vector<16xf32> to vector<16xf32>
        %get3A_180 = arith.index_cast %rem3A_122 : i32 to index
        %get3A_181 = arith.index_cast %scan3A_174 : i32 to index
        %get3A_182 = arith.constant 0 : index
        %get3A_183 = tpu.vector_load %arg8[%get3A_180, %get3A_181, %get3A_182] {strides = array<i32>} : memref<5x80x128xf32, #tpu.memory_space<vmem>>, vector<1x1x16xf32>,
        %get3A_184 = vector.shape_cast %get3A_183 : vector<1x1x16xf32> to vector<16xf32>
        %add3A_185 = arith.addf %get3A_184, %get3A_179 : vector<16xf32>
        %swap3A = arith.index_cast %rem3A_124 : i32 to index
        %swap3A_186 = arith.index_cast %scan3A_174 : i32 to index
        %swap3A_187 = arith.constant 0 : index
        %swap3A_188 = tpu.vector_load %arg9[%swap3A, %swap3A_186, %swap3A_187] {strides = array<i32>} : memref<3x80x64xf32, #tpu.memory_space<vmem>>, vector<1x1x16xf32>,
        %swap3A_189 = vector.shape_cast %swap3A_188 : vector<1x1x16xf32> to vector<16xf32>
        %swap3A_190 = vector.shape_cast %add3A_185 : vector<16xf32> to vector<1x1x16xf32>
        tpu.vector_store %arg9[%swap3A, %swap3A_186, %swap3A_187], %swap3A_190 {strides = array<i32>} : memref<3x80x64xf32, #tpu.memory_space<vmem>>, vector<1x1x16xf32>,
        %add3A_191 = arith.constant 16 : i32
        %add3A_192 = arith.addi %scan3A_175, %add3A_191 : i32
        %get3A_193 = arith.index_cast %add3A_192 : i32 to index
        %get3A_194 = tpu.vector_load %arg7[%get3A_193] {strides = array<i32>} : memref<12800xf32, #tpu.memory_space<vmem>>, vector<16xf32>,
        %get3A_195 = vector.shape_cast %get3A_194 : vector<16xf32> to vector<16xf32>
        %get3A_196 = arith.index_cast %rem3A_122 : i32 to index
        %get3A_197 = arith.index_cast %scan3A_174 : i32 to index
        %get3A_198 = arith.constant 16 : index
        %get3A_199 = tpu.vector_load %arg8[%get3A_196, %get3A_197, %get3A_198] {strides = array<i32>} : memref<5x80x128xf32, #tpu.memory_space<vmem>>, vector<1x1x16xf32>,
        %get3A_200 = vector.shape_cast %get3A_199 : vector<1x1x16xf32> to vector<16xf32>
        %add3A_201 = arith.addf %get3A_200, %get3A_195 : vector<16xf32>
        %swap3A_202 = arith.index_cast %rem3A_124 : i32 to index
        %swap3A_203 = arith.index_cast %scan3A_174 : i32 to index
        %swap3A_204 = arith.constant 16 : index
        %swap3A_205 = tpu.vector_load %arg9[%swap3A_202, %swap3A_203, %swap3A_204] {strides = array<i32>} : memref<3x80x64xf32, #tpu.memory_space<vmem>>, vector<1x1x16xf32>,
        %swap3A_206 = vector.shape_cast %swap3A_205 : vector<1x1x16xf32> to vector<16xf32>
        %swap3A_207 = vector.shape_cast %add3A_201 : vector<16xf32> to vector<1x1x16xf32>
        tpu.vector_store %arg9[%swap3A_202, %swap3A_203, %swap3A_204], %swap3A_207 {strides = array<i32>} : memref<3x80x64xf32, #tpu.memory_space<vmem>>, vector<1x1x16xf32>,
        %add3A_208 = arith.constant 32 : i32
        %add3A_209 = arith.addi %scan3A_175, %add3A_208 : i32
        %get3A_210 = arith.index_cast %add3A_209 : i32 to index
        %get3A_211 = tpu.vector_load %arg7[%get3A_210] {strides = array<i32>} : memref<12800xf32, #tpu.memory_space<vmem>>, vector<16xf32>,
        %get3A_212 = vector.shape_cast %get3A_211 : vector<16xf32> to vector<16xf32>
        %get3A_213 = arith.index_cast %rem3A_122 : i32 to index
        %get3A_214 = arith.index_cast %scan3A_174 : i32 to index
        %get3A_215 = arith.constant 32 : index
        %get3A_216 = tpu.vector_load %arg8[%get3A_213, %get3A_214, %get3A_215] {strides = array<i32>} : memref<5x80x128xf32, #tpu.memory_space<vmem>>, vector<1x1x16xf32>,
        %get3A_217 = vector.shape_cast %get3A_216 : vector<1x1x16xf32> to vector<16xf32>
        %add3A_218 = arith.addf %get3A_217, %get3A_212 : vector<16xf32>
        %swap3A_219 = arith.index_cast %rem3A_124 : i32 to index
        %swap3A_220 = arith.index_cast %scan3A_174 : i32 to index
        %swap3A_221 = arith.constant 32 : index
        %swap3A_222 = tpu.vector_load %arg9[%swap3A_219, %swap3A_220, %swap3A_221] {strides = array<i32>} : memref<3x80x64xf32, #tpu.memory_space<vmem>>, vector<1x1x16xf32>,
        %swap3A_223 = vector.shape_cast %swap3A_222 : vector<1x1x16xf32> to vector<16xf32>
        %swap3A_224 = vector.shape_cast %add3A_218 : vector<16xf32> to vector<1x1x16xf32>
        tpu.vector_store %arg9[%swap3A_219, %swap3A_220, %swap3A_221], %swap3A_224 {strides = array<i32>} : memref<3x80x64xf32, #tpu.memory_space<vmem>>, vector<1x1x16xf32>,
        %add3A_225 = arith.constant 48 : i32
        %add3A_226 = arith.addi %scan3A_175, %add3A_225 : i32
        %get3A_227 = arith.index_cast %add3A_226 : i32 to index
        %get3A_228 = tpu.vector_load %arg7[%get3A_227] {strides = array<i32>} : memref<12800xf32, #tpu.memory_space<vmem>>, vector<16xf32>,
        %get3A_229 = vector.shape_cast %get3A_228 : vector<16xf32> to vector<16xf32>
        %get3A_230 = arith.index_cast %rem3A_122 : i32 to index
        %get3A_231 = arith.index_cast %scan3A_174 : i32 to index
        %get3A_232 = arith.constant 48 : index
        %get3A_233 = tpu.vector_load %arg8[%get3A_230, %get3A_231, %get3A_232] {strides = array<i32>} : memref<5x80x128xf32, #tpu.memory_space<vmem>>, vector<1x1x16xf32>,
        %get3A_234 = vector.shape_cast %get3A_233 : vector<1x1x16xf32> to vector<16xf32>
        %add3A_235 = arith.addf %get3A_234, %get3A_229 : vector<16xf32>
        %swap3A_236 = arith.index_cast %rem3A_124 : i32 to index
        %swap3A_237 = arith.index_cast %scan3A_174 : i32 to index
        %swap3A_238 = arith.constant 48 : index
        %swap3A_239 = tpu.vector_load %arg9[%swap3A_236, %swap3A_237, %swap3A_238] {strides = array<i32>} : memref<3x80x64xf32, #tpu.memory_space<vmem>>, vector<1x1x16xf32>,
        %swap3A_240 = vector.shape_cast %swap3A_239 : vector<1x1x16xf32> to vector<16xf32>
        %swap3A_241 = vector.shape_cast %add3A_235 : vector<16xf32> to vector<1x1x16xf32>
        tpu.vector_store %arg9[%swap3A_236, %swap3A_237, %swap3A_238], %swap3A_241 {strides = array<i32>} : memref<3x80x64xf32, #tpu.memory_space<vmem>>, vector<1x1x16xf32>,
        %add3A_242 = arith.constant 64 : i32
        %add3A_243 = arith.addi %scan3A_175, %add3A_242 : i32
        %ge3A_244 = arith.constant 12800 : i32
        %ge3A_245 = arith.cmpi sge, %add3A_243, %ge3A_244 : i32
        %select_n3A = arith.constant 0 : i32
        %select_n3A_246 = arith.select %ge3A_245, %select_n3A, %add3A_243 : i32
        %scan3A_247 = arith.constant 1 : i32
        %scan3A_248 = arith.addi %scan3A_174, %scan3A_247 : i32
        %add3A_249 = arith.constant 0 : i32
        %add3A_250 = arith.addi %select_n3A_246, %add3A_249 : i32
        %get3A_251 = arith.index_cast %add3A_250 : i32 to index
        %get3A_252 = tpu.vector_load %arg7[%get3A_251] {strides = array<i32>} : memref<12800xf32, #tpu.memory_space<vmem>>, vector<16xf32>,
        %get3A_253 = vector.shape_cast %get3A_252 : vector<16xf32> to vector<16xf32>
        %get3A_254 = arith.index_cast %rem3A_122 : i32 to index
        %get3A_255 = arith.index_cast %scan3A_248 : i32 to index
        %get3A_256 = arith.constant 0 : index
        %get3A_257 = tpu.vector_load %arg8[%get3A_254, %get3A_255, %get3A_256] {strides = array<i32>} : memref<5x80x128xf32, #tpu.memory_space<vmem>>, vector<1x1x16xf32>,
        %get3A_258 = vector.shape_cast %get3A_257 : vector<1x1x16xf32> to vector<16xf32>
        %add3A_259 = arith.addf %get3A_258, %get3A_253 : vector<16xf32>
        %swap3A_260 = arith.index_cast %rem3A_124 : i32 to index
        %swap3A_261 = arith.index_cast %scan3A_248 : i32 to index
        %swap3A_262 = arith.constant 0 : index
        %swap3A_263 = tpu.vector_load %arg9[%swap3A_260, %swap3A_261, %swap3A_262] {strides = array<i32>} : memref<3x80x64xf32, #tpu.memory_space<vmem>>, vector<1x1x16xf32>,
        %swap3A_264 = vector.shape_cast %swap3A_263 : vector<1x1x16xf32> to vector<16xf32>
        %swap3A_265 = vector.shape_cast %add3A_259 : vector<16xf32> to vector<1x1x16xf32>
        tpu.vector_store %arg9[%swap3A_260, %swap3A_261, %swap3A_262], %swap3A_265 {strides = array<i32>} : memref<3x80x64xf32, #tpu.memory_space<vmem>>, vector<1x1x16xf32>,
        %add3A_266 = arith.constant 16 : i32
        %add3A_267 = arith.addi %select_n3A_246, %add3A_266 : i32
        %get3A_268 = arith.index_cast %add3A_267 : i32 to index
        %get3A_269 = tpu.vector_load %arg7[%get3A_268] {strides = array<i32>} : memref<12800xf32, #tpu.memory_space<vmem>>, vector<16xf32>,
        %get3A_270 = vector.shape_cast %get3A_269 : vector<16xf32> to vector<16xf32>
        %get3A_271 = arith.index_cast %rem3A_122 : i32 to index
        %get3A_272 = arith.index_cast %scan3A_248 : i32 to index
        %get3A_273 = arith.constant 16 : index
        %get3A_274 = tpu.vector_load %arg8[%get3A_271, %get3A_272, %get3A_273] {strides = array<i32>} : memref<5x80x128xf32, #tpu.memory_space<vmem>>, vector<1x1x16xf32>,
        %get3A_275 = vector.shape_cast %get3A_274 : vector<1x1x16xf32> to vector<16xf32>
        %add3A_276 = arith.addf %get3A_275, %get3A_270 : vector<16xf32>
        %swap3A_277 = arith.index_cast %rem3A_124 : i32 to index
        %swap3A_278 = arith.index_cast %scan3A_248 : i32 to index
        %swap3A_279 = arith.constant 16 : index
        %swap3A_280 = tpu.vector_load %arg9[%swap3A_277, %swap3A_278, %swap3A_279] {strides = array<i32>} : memref<3x80x64xf32, #tpu.memory_space<vmem>>, vector<1x1x16xf32>,
        %swap3A_281 = vector.shape_cast %swap3A_280 : vector<1x1x16xf32> to vector<16xf32>
        %swap3A_282 = vector.shape_cast %add3A_276 : vector<16xf32> to vector<1x1x16xf32>
        tpu.vector_store %arg9[%swap3A_277, %swap3A_278, %swap3A_279], %swap3A_282 {strides = array<i32>} : memref<3x80x64xf32, #tpu.memory_space<vmem>>, vector<1x1x16xf32>,
        %add3A_283 = arith.constant 32 : i32
        %add3A_284 = arith.addi %select_n3A_246, %add3A_283 : i32
        %get3A_285 = arith.index_cast %add3A_284 : i32 to index
        %get3A_286 = tpu.vector_load %arg7[%get3A_285] {strides = array<i32>} : memref<12800xf32, #tpu.memory_space<vmem>>, vector<16xf32>,
        %get3A_287 = vector.shape_cast %get3A_286 : vector<16xf32> to vector<16xf32>
        %get3A_288 = arith.index_cast %rem3A_122 : i32 to index
        %get3A_289 = arith.index_cast %scan3A_248 : i32 to index
        %get3A_290 = arith.constant 32 : index
        %get3A_291 = tpu.vector_load %arg8[%get3A_288, %get3A_289, %get3A_290] {strides = array<i32>} : memref<5x80x128xf32, #tpu.memory_space<vmem>>, vector<1x1x16xf32>,
        %get3A_292 = vector.shape_cast %get3A_291 : vector<1x1x16xf32> to vector<16xf32>
        %add3A_293 = arith.addf %get3A_292, %get3A_287 : vector<16xf32>
        %swap3A_294 = arith.index_cast %rem3A_124 : i32 to index
        %swap3A_295 = arith.index_cast %scan3A_248 : i32 to index
        %swap3A_296 = arith.constant 32 : index
        %swap3A_297 = tpu.vector_load %arg9[%swap3A_294, %swap3A_295, %swap3A_296] {strides = array<i32>} : memref<3x80x64xf32, #tpu.memory_space<vmem>>, vector<1x1x16xf32>,
        %swap3A_298 = vector.shape_cast %swap3A_297 : vector<1x1x16xf32> to vector<16xf32>
        %swap3A_299 = vector.shape_cast %add3A_293 : vector<16xf32> to vector<1x1x16xf32>
        tpu.vector_store %arg9[%swap3A_294, %swap3A_295, %swap3A_296], %swap3A_299 {strides = array<i32>} : memref<3x80x64xf32, #tpu.memory_space<vmem>>, vector<1x1x16xf32>,
        %add3A_300 = arith.constant 48 : i32
        %add3A_301 = arith.addi %select_n3A_246, %add3A_300 : i32
        %get3A_302 = arith.index_cast %add3A_301 : i32 to index
        %get3A_303 = tpu.vector_load %arg7[%get3A_302] {strides = array<i32>} : memref<12800xf32, #tpu.memory_space<vmem>>, vector<16xf32>,
        %get3A_304 = vector.shape_cast %get3A_303 : vector<16xf32> to vector<16xf32>
        %get3A_305 = arith.index_cast %rem3A_122 : i32 to index
        %get3A_306 = arith.index_cast %scan3A_248 : i32 to index
        %get3A_307 = arith.constant 48 : index
        %get3A_308 = tpu.vector_load %arg8[%get3A_305, %get3A_306, %get3A_307] {strides = array<i32>} : memref<5x80x128xf32, #tpu.memory_space<vmem>>, vector<1x1x16xf32>,
        %get3A_309 = vector.shape_cast %get3A_308 : vector<1x1x16xf32> to vector<16xf32>
        %add3A_310 = arith.addf %get3A_309, %get3A_304 : vector<16xf32>
        %swap3A_311 = arith.index_cast %rem3A_124 : i32 to index
        %swap3A_312 = arith.index_cast %scan3A_248 : i32 to index
        %swap3A_313 = arith.constant 48 : index
        %swap3A_314 = tpu.vector_load %arg9[%swap3A_311, %swap3A_312, %swap3A_313] {strides = array<i32>} : memref<3x80x64xf32, #tpu.memory_space<vmem>>, vector<1x1x16xf32>,
        %swap3A_315 = vector.shape_cast %swap3A_314 : vector<1x1x16xf32> to vector<16xf32>
        %swap3A_316 = vector.shape_cast %add3A_310 : vector<16xf32> to vector<1x1x16xf32>
        tpu.vector_store %arg9[%swap3A_311, %swap3A_312, %swap3A_313], %swap3A_316 {strides = array<i32>} : memref<3x80x64xf32, #tpu.memory_space<vmem>>, vector<1x1x16xf32>,
        %add3A_317 = arith.constant 64 : i32
        %add3A_318 = arith.addi %select_n3A_246, %add3A_317 : i32
        %ge3A_319 = arith.constant 12800 : i32
        %ge3A_320 = arith.cmpi sge, %add3A_318, %ge3A_319 : i32
        %select_n3A_321 = arith.constant 0 : i32
        %select_n3A_322 = arith.select %ge3A_320, %select_n3A_321, %add3A_318 : i32
        %scan3A_323 = arith.constant 2 : i32
        %scan3A_324 = arith.addi %scan3A_174, %scan3A_323 : i32
        %add3A_325 = arith.constant 0 : i32
        %add3A_326 = arith.addi %select_n3A_322, %add3A_325 : i32
        %get3A_327 = arith.index_cast %add3A_326 : i32 to index
        %get3A_328 = tpu.vector_load %arg7[%get3A_327] {strides = array<i32>} : memref<12800xf32, #tpu.memory_space<vmem>>, vector<16xf32>,
        %get3A_329 = vector.shape_cast %get3A_328 : vector<16xf32> to vector<16xf32>
        %get3A_330 = arith.index_cast %rem3A_122 : i32 to index
        %get3A_331 = arith.index_cast %scan3A_324 : i32 to index
        %get3A_332 = arith.constant 0 : index
        %get3A_333 = tpu.vector_load %arg8[%get3A_330, %get3A_331, %get3A_332] {strides = array<i32>} : memref<5x80x128xf32, #tpu.memory_space<vmem>>, vector<1x1x16xf32>,
        %get3A_334 = vector.shape_cast %get3A_333 : vector<1x1x16xf32> to vector<16xf32>
        %add3A_335 = arith.addf %get3A_334, %get3A_329 : vector<16xf32>
        %swap3A_336 = arith.index_cast %rem3A_124 : i32 to index
        %swap3A_337 = arith.index_cast %scan3A_324 : i32 to index
        %swap3A_338 = arith.constant 0 : index
        %swap3A_339 = tpu.vector_load %arg9[%swap3A_336, %swap3A_337, %swap3A_338] {strides = array<i32>} : memref<3x80x64xf32, #tpu.memory_space<vmem>>, vector<1x1x16xf32>,
        %swap3A_340 = vector.shape_cast %swap3A_339 : vector<1x1x16xf32> to vector<16xf32>
        %swap3A_341 = vector.shape_cast %add3A_335 : vector<16xf32> to vector<1x1x16xf32>
        tpu.vector_store %arg9[%swap3A_336, %swap3A_337, %swap3A_338], %swap3A_341 {strides = array<i32>} : memref<3x80x64xf32, #tpu.memory_space<vmem>>, vector<1x1x16xf32>,
        %add3A_342 = arith.constant 16 : i32
        %add3A_343 = arith.addi %select_n3A_322, %add3A_342 : i32
        %get3A_344 = arith.index_cast %add3A_343 : i32 to index
        %get3A_345 = tpu.vector_load %arg7[%get3A_344] {strides = array<i32>} : memref<12800xf32, #tpu.memory_space<vmem>>, vector<16xf32>,
        %get3A_346 = vector.shape_cast %get3A_345 : vector<16xf32> to vector<16xf32>
        %get3A_347 = arith.index_cast %rem3A_122 : i32 to index
        %get3A_348 = arith.index_cast %scan3A_324 : i32 to index
        %get3A_349 = arith.constant 16 : index
        %get3A_350 = tpu.vector_load %arg8[%get3A_347, %get3A_348, %get3A_349] {strides = array<i32>} : memref<5x80x128xf32, #tpu.memory_space<vmem>>, vector<1x1x16xf32>,
        %get3A_351 = vector.shape_cast %get3A_350 : vector<1x1x16xf32> to vector<16xf32>
        %add3A_352 = arith.addf %get3A_351, %get3A_346 : vector<16xf32>
        %swap3A_353 = arith.index_cast %rem3A_124 : i32 to index
        %swap3A_354 = arith.index_cast %scan3A_324 : i32 to index
        %swap3A_355 = arith.constant 16 : index
        %swap3A_356 = tpu.vector_load %arg9[%swap3A_353, %swap3A_354, %swap3A_355] {strides = array<i32>} : memref<3x80x64xf32, #tpu.memory_space<vmem>>, vector<1x1x16xf32>,
        %swap3A_357 = vector.shape_cast %swap3A_356 : vector<1x1x16xf32> to vector<16xf32>
        %swap3A_358 = vector.shape_cast %add3A_352 : vector<16xf32> to vector<1x1x16xf32>
        tpu.vector_store %arg9[%swap3A_353, %swap3A_354, %swap3A_355], %swap3A_358 {strides = array<i32>} : memref<3x80x64xf32, #tpu.memory_space<vmem>>, vector<1x1x16xf32>,
        %add3A_359 = arith.constant 32 : i32
        %add3A_360 = arith.addi %select_n3A_322, %add3A_359 : i32
        %get3A_361 = arith.index_cast %add3A_360 : i32 to index
        %get3A_362 = tpu.vector_load %arg7[%get3A_361] {strides = array<i32>} : memref<12800xf32, #tpu.memory_space<vmem>>, vector<16xf32>,
        %get3A_363 = vector.shape_cast %get3A_362 : vector<16xf32> to vector<16xf32>
        %get3A_364 = arith.index_cast %rem3A_122 : i32 to index
        %get3A_365 = arith.index_cast %scan3A_324 : i32 to index
        %get3A_366 = arith.constant 32 : index
        %get3A_367 = tpu.vector_load %arg8[%get3A_364, %get3A_365, %get3A_366] {strides = array<i32>} : memref<5x80x128xf32, #tpu.memory_space<vmem>>, vector<1x1x16xf32>,
        %get3A_368 = vector.shape_cast %get3A_367 : vector<1x1x16xf32> to vector<16xf32>
        %add3A_369 = arith.addf %get3A_368, %get3A_363 : vector<16xf32>
        %swap3A_370 = arith.index_cast %rem3A_124 : i32 to index
        %swap3A_371 = arith.index_cast %scan3A_324 : i32 to index
        %swap3A_372 = arith.constant 32 : index
        %swap3A_373 = tpu.vector_load %arg9[%swap3A_370, %swap3A_371, %swap3A_372] {strides = array<i32>} : memref<3x80x64xf32, #tpu.memory_space<vmem>>, vector<1x1x16xf32>,
        %swap3A_374 = vector.shape_cast %swap3A_373 : vector<1x1x16xf32> to vector<16xf32>
        %swap3A_375 = vector.shape_cast %add3A_369 : vector<16xf32> to vector<1x1x16xf32>
        tpu.vector_store %arg9[%swap3A_370, %swap3A_371, %swap3A_372], %swap3A_375 {strides = array<i32>} : memref<3x80x64xf32, #tpu.memory_space<vmem>>, vector<1x1x16xf32>,
        %add3A_376 = arith.constant 48 : i32
        %add3A_377 = arith.addi %select_n3A_322, %add3A_376 : i32
        %get3A_378 = arith.index_cast %add3A_377 : i32 to index
        %get3A_379 = tpu.vector_load %arg7[%get3A_378] {strides = array<i32>} : memref<12800xf32, #tpu.memory_space<vmem>>, vector<16xf32>,
        %get3A_380 = vector.shape_cast %get3A_379 : vector<16xf32> to vector<16xf32>
        %get3A_381 = arith.index_cast %rem3A_122 : i32 to index
        %get3A_382 = arith.index_cast %scan3A_324 : i32 to index
        %get3A_383 = arith.constant 48 : index
        %get3A_384 = tpu.vector_load %arg8[%get3A_381, %get3A_382, %get3A_383] {strides = array<i32>} : memref<5x80x128xf32, #tpu.memory_space<vmem>>, vector<1x1x16xf32>,
        %get3A_385 = vector.shape_cast %get3A_384 : vector<1x1x16xf32> to vector<16xf32>
        %add3A_386 = arith.addf %get3A_385, %get3A_380 : vector<16xf32>
        %swap3A_387 = arith.index_cast %rem3A_124 : i32 to index
        %swap3A_388 = arith.index_cast %scan3A_324 : i32 to index
        %swap3A_389 = arith.constant 48 : index
        %swap3A_390 = tpu.vector_load %arg9[%swap3A_387, %swap3A_388, %swap3A_389] {strides = array<i32>} : memref<3x80x64xf32, #tpu.memory_space<vmem>>, vector<1x1x16xf32>,
        %swap3A_391 = vector.shape_cast %swap3A_390 : vector<1x1x16xf32> to vector<16xf32>
        %swap3A_392 = vector.shape_cast %add3A_386 : vector<16xf32> to vector<1x1x16xf32>
        tpu.vector_store %arg9[%swap3A_387, %swap3A_388, %swap3A_389], %swap3A_392 {strides = array<i32>} : memref<3x80x64xf32, #tpu.memory_space<vmem>>, vector<1x1x16xf32>,
        %add3A_393 = arith.constant 64 : i32
        %add3A_394 = arith.addi %select_n3A_322, %add3A_393 : i32
        %ge3A_395 = arith.constant 12800 : i32
        %ge3A_396 = arith.cmpi sge, %add3A_394, %ge3A_395 : i32
        %select_n3A_397 = arith.constant 0 : i32
        %select_n3A_398 = arith.select %ge3A_396, %select_n3A_397, %add3A_394 : i32
        %scan3A_399 = arith.constant 3 : i32
        %scan3A_400 = arith.addi %scan3A_174, %scan3A_399 : i32
        %add3A_401 = arith.constant 0 : i32
        %add3A_402 = arith.addi %select_n3A_398, %add3A_401 : i32
        %get3A_403 = arith.index_cast %add3A_402 : i32 to index
        %get3A_404 = tpu.vector_load %arg7[%get3A_403] {strides = array<i32>} : memref<12800xf32, #tpu.memory_space<vmem>>, vector<16xf32>,
        %get3A_405 = vector.shape_cast %get3A_404 : vector<16xf32> to vector<16xf32>
        %get3A_406 = arith.index_cast %rem3A_122 : i32 to index
        %get3A_407 = arith.index_cast %scan3A_400 : i32 to index
        %get3A_408 = arith.constant 0 : index
        %get3A_409 = tpu.vector_load %arg8[%get3A_406, %get3A_407, %get3A_408] {strides = array<i32>} : memref<5x80x128xf32, #tpu.memory_space<vmem>>, vector<1x1x16xf32>,
        %get3A_410 = vector.shape_cast %get3A_409 : vector<1x1x16xf32> to vector<16xf32>
        %add3A_411 = arith.addf %get3A_410, %get3A_405 : vector<16xf32>
        %swap3A_412 = arith.index_cast %rem3A_124 : i32 to index
        %swap3A_413 = arith.index_cast %scan3A_400 : i32 to index
        %swap3A_414 = arith.constant 0 : index
        %swap3A_415 = tpu.vector_load %arg9[%swap3A_412, %swap3A_413, %swap3A_414] {strides = array<i32>} : memref<3x80x64xf32, #tpu.memory_space<vmem>>, vector<1x1x16xf32>,
        %swap3A_416 = vector.shape_cast %swap3A_415 : vector<1x1x16xf32> to vector<16xf32>
        %swap3A_417 = vector.shape_cast %add3A_411 : vector<16xf32> to vector<1x1x16xf32>
        tpu.vector_store %arg9[%swap3A_412, %swap3A_413, %swap3A_414], %swap3A_417 {strides = array<i32>} : memref<3x80x64xf32, #tpu.memory_space<vmem>>, vector<1x1x16xf32>,
        %add3A_418 = arith.constant 16 : i32
        %add3A_419 = arith.addi %select_n3A_398, %add3A_418 : i32
        %get3A_420 = arith.index_cast %add3A_419 : i32 to index
        %get3A_421 = tpu.vector_load %arg7[%get3A_420] {strides = array<i32>} : memref<12800xf32, #tpu.memory_space<vmem>>, vector<16xf32>,
        %get3A_422 = vector.shape_cast %get3A_421 : vector<16xf32> to vector<16xf32>
        %get3A_423 = arith.index_cast %rem3A_122 : i32 to index
        %get3A_424 = arith.index_cast %scan3A_400 : i32 to index
        %get3A_425 = arith.constant 16 : index
        %get3A_426 = tpu.vector_load %arg8[%get3A_423, %get3A_424, %get3A_425] {strides = array<i32>} : memref<5x80x128xf32, #tpu.memory_space<vmem>>, vector<1x1x16xf32>,
        %get3A_427 = vector.shape_cast %get3A_426 : vector<1x1x16xf32> to vector<16xf32>
        %add3A_428 = arith.addf %get3A_427, %get3A_422 : vector<16xf32>
        %swap3A_429 = arith.index_cast %rem3A_124 : i32 to index
        %swap3A_430 = arith.index_cast %scan3A_400 : i32 to index
        %swap3A_431 = arith.constant 16 : index
        %swap3A_432 = tpu.vector_load %arg9[%swap3A_429, %swap3A_430, %swap3A_431] {strides = array<i32>} : memref<3x80x64xf32, #tpu.memory_space<vmem>>, vector<1x1x16xf32>,
        %swap3A_433 = vector.shape_cast %swap3A_432 : vector<1x1x16xf32> to vector<16xf32>
        %swap3A_434 = vector.shape_cast %add3A_428 : vector<16xf32> to vector<1x1x16xf32>
        tpu.vector_store %arg9[%swap3A_429, %swap3A_430, %swap3A_431], %swap3A_434 {strides = array<i32>} : memref<3x80x64xf32, #tpu.memory_space<vmem>>, vector<1x1x16xf32>,
        %add3A_435 = arith.constant 32 : i32
        %add3A_436 = arith.addi %select_n3A_398, %add3A_435 : i32
        %get3A_437 = arith.index_cast %add3A_436 : i32 to index
        %get3A_438 = tpu.vector_load %arg7[%get3A_437] {strides = array<i32>} : memref<12800xf32, #tpu.memory_space<vmem>>, vector<16xf32>,
        %get3A_439 = vector.shape_cast %get3A_438 : vector<16xf32> to vector<16xf32>
        %get3A_440 = arith.index_cast %rem3A_122 : i32 to index
        %get3A_441 = arith.index_cast %scan3A_400 : i32 to index
        %get3A_442 = arith.constant 32 : index
        %get3A_443 = tpu.vector_load %arg8[%get3A_440, %get3A_441, %get3A_442] {strides = array<i32>} : memref<5x80x128xf32, #tpu.memory_space<vmem>>, vector<1x1x16xf32>,
        %get3A_444 = vector.shape_cast %get3A_443 : vector<1x1x16xf32> to vector<16xf32>
        %add3A_445 = arith.addf %get3A_444, %get3A_439 : vector<16xf32>
        %swap3A_446 = arith.index_cast %rem3A_124 : i32 to index
        %swap3A_447 = arith.index_cast %scan3A_400 : i32 to index
        %swap3A_448 = arith.constant 32 : index
        %swap3A_449 = tpu.vector_load %arg9[%swap3A_446, %swap3A_447, %swap3A_448] {strides = array<i32>} : memref<3x80x64xf32, #tpu.memory_space<vmem>>, vector<1x1x16xf32>,
        %swap3A_450 = vector.shape_cast %swap3A_449 : vector<1x1x16xf32> to vector<16xf32>
        %swap3A_451 = vector.shape_cast %add3A_445 : vector<16xf32> to vector<1x1x16xf32>
        tpu.vector_store %arg9[%swap3A_446, %swap3A_447, %swap3A_448], %swap3A_451 {strides = array<i32>} : memref<3x80x64xf32, #tpu.memory_space<vmem>>, vector<1x1x16xf32>,
        %add3A_452 = arith.constant 48 : i32
        %add3A_453 = arith.addi %select_n3A_398, %add3A_452 : i32
        %get3A_454 = arith.index_cast %add3A_453 : i32 to index
        %get3A_455 = tpu.vector_load %arg7[%get3A_454] {strides = array<i32>} : memref<12800xf32, #tpu.memory_space<vmem>>, vector<16xf32>,
        %get3A_456 = vector.shape_cast %get3A_455 : vector<16xf32> to vector<16xf32>
        %get3A_457 = arith.index_cast %rem3A_122 : i32 to index
        %get3A_458 = arith.index_cast %scan3A_400 : i32 to index
        %get3A_459 = arith.constant 48 : index
        %get3A_460 = tpu.vector_load %arg8[%get3A_457, %get3A_458, %get3A_459] {strides = array<i32>} : memref<5x80x128xf32, #tpu.memory_space<vmem>>, vector<1x1x16xf32>,
        %get3A_461 = vector.shape_cast %get3A_460 : vector<1x1x16xf32> to vector<16xf32>
        %add3A_462 = arith.addf %get3A_461, %get3A_456 : vector<16xf32>
        %swap3A_463 = arith.index_cast %rem3A_124 : i32 to index
        %swap3A_464 = arith.index_cast %scan3A_400 : i32 to index
        %swap3A_465 = arith.constant 48 : index
        %swap3A_466 = tpu.vector_load %arg9[%swap3A_463, %swap3A_464, %swap3A_465] {strides = array<i32>} : memref<3x80x64xf32, #tpu.memory_space<vmem>>, vector<1x1x16xf32>,
        %swap3A_467 = vector.shape_cast %swap3A_466 : vector<1x1x16xf32> to vector<16xf32>
        %swap3A_468 = vector.shape_cast %add3A_462 : vector<16xf32> to vector<1x1x16xf32>
        tpu.vector_store %arg9[%swap3A_463, %swap3A_464, %swap3A_465], %swap3A_468 {strides = array<i32>} : memref<3x80x64xf32, #tpu.memory_space<vmem>>, vector<1x1x16xf32>,
        %add3A_469 = arith.constant 64 : i32
        %add3A_470 = arith.addi %select_n3A_398, %add3A_469 : i32
        %ge3A_471 = arith.constant 12800 : i32
        %ge3A_472 = arith.cmpi sge, %add3A_470, %ge3A_471 : i32
        %select_n3A_473 = arith.constant 0 : i32
        %select_n3A_474 = arith.select %ge3A_472, %select_n3A_473, %add3A_470 : i32
        %scan3A_475 = arith.constant 4 : i32
        %scan3A_476 = arith.addi %scan3A_174, %scan3A_475 : i32
        %add3A_477 = arith.constant 0 : i32
        %add3A_478 = arith.addi %select_n3A_474, %add3A_477 : i32
        %get3A_479 = arith.index_cast %add3A_478 : i32 to index
        %get3A_480 = tpu.vector_load %arg7[%get3A_479] {strides = array<i32>} : memref<12800xf32, #tpu.memory_space<vmem>>, vector<16xf32>,
        %get3A_481 = vector.shape_cast %get3A_480 : vector<16xf32> to vector<16xf32>
        %get3A_482 = arith.index_cast %rem3A_122 : i32 to index
        %get3A_483 = arith.index_cast %scan3A_476 : i32 to index
        %get3A_484 = arith.constant 0 : index
        %get3A_485 = tpu.vector_load %arg8[%get3A_482, %get3A_483, %get3A_484] {strides = array<i32>} : memref<5x80x128xf32, #tpu.memory_space<vmem>>, vector<1x1x16xf32>,
        %get3A_486 = vector.shape_cast %get3A_485 : vector<1x1x16xf32> to vector<16xf32>
        %add3A_487 = arith.addf %get3A_486, %get3A_481 : vector<16xf32>
        %swap3A_488 = arith.index_cast %rem3A_124 : i32 to index
        %swap3A_489 = arith.index_cast %scan3A_476 : i32 to index
        %swap3A_490 = arith.constant 0 : index
        %swap3A_491 = tpu.vector_load %arg9[%swap3A_488, %swap3A_489, %swap3A_490] {strides = array<i32>} : memref<3x80x64xf32, #tpu.memory_space<vmem>>, vector<1x1x16xf32>,
        %swap3A_492 = vector.shape_cast %swap3A_491 : vector<1x1x16xf32> to vector<16xf32>
        %swap3A_493 = vector.shape_cast %add3A_487 : vector<16xf32> to vector<1x1x16xf32>
        tpu.vector_store %arg9[%swap3A_488, %swap3A_489, %swap3A_490], %swap3A_493 {strides = array<i32>} : memref<3x80x64xf32, #tpu.memory_space<vmem>>, vector<1x1x16xf32>,
        %add3A_494 = arith.constant 16 : i32
        %add3A_495 = arith.addi %select_n3A_474, %add3A_494 : i32
        %get3A_496 = arith.index_cast %add3A_495 : i32 to index
        %get3A_497 = tpu.vector_load %arg7[%get3A_496] {strides = array<i32>} : memref<12800xf32, #tpu.memory_space<vmem>>, vector<16xf32>,
        %get3A_498 = vector.shape_cast %get3A_497 : vector<16xf32> to vector<16xf32>
        %get3A_499 = arith.index_cast %rem3A_122 : i32 to index
        %get3A_500 = arith.index_cast %scan3A_476 : i32 to index
        %get3A_501 = arith.constant 16 : index
        %get3A_502 = tpu.vector_load %arg8[%get3A_499, %get3A_500, %get3A_501] {strides = array<i32>} : memref<5x80x128xf32, #tpu.memory_space<vmem>>, vector<1x1x16xf32>,
        %get3A_503 = vector.shape_cast %get3A_502 : vector<1x1x16xf32> to vector<16xf32>
        %add3A_504 = arith.addf %get3A_503, %get3A_498 : vector<16xf32>
        %swap3A_505 = arith.index_cast %rem3A_124 : i32 to index
        %swap3A_506 = arith.index_cast %scan3A_476 : i32 to index
        %swap3A_507 = arith.constant 16 : index
        %swap3A_508 = tpu.vector_load %arg9[%swap3A_505, %swap3A_506, %swap3A_507] {strides = array<i32>} : memref<3x80x64xf32, #tpu.memory_space<vmem>>, vector<1x1x16xf32>,
        %swap3A_509 = vector.shape_cast %swap3A_508 : vector<1x1x16xf32> to vector<16xf32>
        %swap3A_510 = vector.shape_cast %add3A_504 : vector<16xf32> to vector<1x1x16xf32>
        tpu.vector_store %arg9[%swap3A_505, %swap3A_506, %swap3A_507], %swap3A_510 {strides = array<i32>} : memref<3x80x64xf32, #tpu.memory_space<vmem>>, vector<1x1x16xf32>,
        %add3A_511 = arith.constant 32 : i32
        %add3A_512 = arith.addi %select_n3A_474, %add3A_511 : i32
        %get3A_513 = arith.index_cast %add3A_512 : i32 to index
        %get3A_514 = tpu.vector_load %arg7[%get3A_513] {strides = array<i32>} : memref<12800xf32, #tpu.memory_space<vmem>>, vector<16xf32>,
        %get3A_515 = vector.shape_cast %get3A_514 : vector<16xf32> to vector<16xf32>
        %get3A_516 = arith.index_cast %rem3A_122 : i32 to index
        %get3A_517 = arith.index_cast %scan3A_476 : i32 to index
        %get3A_518 = arith.constant 32 : index
        %get3A_519 = tpu.vector_load %arg8[%get3A_516, %get3A_517, %get3A_518] {strides = array<i32>} : memref<5x80x128xf32, #tpu.memory_space<vmem>>, vector<1x1x16xf32>,
        %get3A_520 = vector.shape_cast %get3A_519 : vector<1x1x16xf32> to vector<16xf32>
        %add3A_521 = arith.addf %get3A_520, %get3A_515 : vector<16xf32>
        %swap3A_522 = arith.index_cast %rem3A_124 : i32 to index
        %swap3A_523 = arith.index_cast %scan3A_476 : i32 to index
        %swap3A_524 = arith.constant 32 : index
        %swap3A_525 = tpu.vector_load %arg9[%swap3A_522, %swap3A_523, %swap3A_524] {strides = array<i32>} : memref<3x80x64xf32, #tpu.memory_space<vmem>>, vector<1x1x16xf32>,
        %swap3A_526 = vector.shape_cast %swap3A_525 : vector<1x1x16xf32> to vector<16xf32>
        %swap3A_527 = vector.shape_cast %add3A_521 : vector<16xf32> to vector<1x1x16xf32>
        tpu.vector_store %arg9[%swap3A_522, %swap3A_523, %swap3A_524], %swap3A_527 {strides = array<i32>} : memref<3x80x64xf32, #tpu.memory_space<vmem>>, vector<1x1x16xf32>,
        %add3A_528 = arith.constant 48 : i32
        %add3A_529 = arith.addi %select_n3A_474, %add3A_528 : i32
        %get3A_530 = arith.index_cast %add3A_529 : i32 to index
        %get3A_531 = tpu.vector_load %arg7[%get3A_530] {strides = array<i32>} : memref<12800xf32, #tpu.memory_space<vmem>>, vector<16xf32>,
        %get3A_532 = vector.shape_cast %get3A_531 : vector<16xf32> to vector<16xf32>
        %get3A_533 = arith.index_cast %rem3A_122 : i32 to index
        %get3A_534 = arith.index_cast %scan3A_476 : i32 to index
        %get3A_535 = arith.constant 48 : index
        %get3A_536 = tpu.vector_load %arg8[%get3A_533, %get3A_534, %get3A_535] {strides = array<i32>} : memref<5x80x128xf32, #tpu.memory_space<vmem>>, vector<1x1x16xf32>,
        %get3A_537 = vector.shape_cast %get3A_536 : vector<1x1x16xf32> to vector<16xf32>
        %add3A_538 = arith.addf %get3A_537, %get3A_532 : vector<16xf32>
        %swap3A_539 = arith.index_cast %rem3A_124 : i32 to index
        %swap3A_540 = arith.index_cast %scan3A_476 : i32 to index
        %swap3A_541 = arith.constant 48 : index
        %swap3A_542 = tpu.vector_load %arg9[%swap3A_539, %swap3A_540, %swap3A_541] {strides = array<i32>} : memref<3x80x64xf32, #tpu.memory_space<vmem>>, vector<1x1x16xf32>,
        %swap3A_543 = vector.shape_cast %swap3A_542 : vector<1x1x16xf32> to vector<16xf32>
        %swap3A_544 = vector.shape_cast %add3A_538 : vector<16xf32> to vector<1x1x16xf32>
        tpu.vector_store %arg9[%swap3A_539, %swap3A_540, %swap3A_541], %swap3A_544 {strides = array<i32>} : memref<3x80x64xf32, #tpu.memory_space<vmem>>, vector<1x1x16xf32>,
        %add3A_545 = arith.constant 64 : i32
        %add3A_546 = arith.addi %select_n3A_474, %add3A_545 : i32
        %ge3A_547 = arith.constant 12800 : i32
        %ge3A_548 = arith.cmpi sge, %add3A_546, %ge3A_547 : i32
        %select_n3A_549 = arith.constant 0 : i32
        %select_n3A_550 = arith.select %ge3A_548, %select_n3A_549, %add3A_546 : i32
        %scan3A_551 = arith.constant 5 : i32
        %scan3A_552 = arith.addi %scan3A_174, %scan3A_551 : i32
        %add3A_553 = arith.constant 0 : i32
        %add3A_554 = arith.addi %select_n3A_550, %add3A_553 : i32
        %get3A_555 = arith.index_cast %add3A_554 : i32 to index
        %get3A_556 = tpu.vector_load %arg7[%get3A_555] {strides = array<i32>} : memref<12800xf32, #tpu.memory_space<vmem>>, vector<16xf32>,
        %get3A_557 = vector.shape_cast %get3A_556 : vector<16xf32> to vector<16xf32>
        %get3A_558 = arith.index_cast %rem3A_122 : i32 to index
        %get3A_559 = arith.index_cast %scan3A_552 : i32 to index
        %get3A_560 = arith.constant 0 : index
        %get3A_561 = tpu.vector_load %arg8[%get3A_558, %get3A_559, %get3A_560] {strides = array<i32>} : memref<5x80x128xf32, #tpu.memory_space<vmem>>, vector<1x1x16xf32>,
        %get3A_562 = vector.shape_cast %get3A_561 : vector<1x1x16xf32> to vector<16xf32>
        %add3A_563 = arith.addf %get3A_562, %get3A_557 : vector<16xf32>
        %swap3A_564 = arith.index_cast %rem3A_124 : i32 to index
        %swap3A_565 = arith.index_cast %scan3A_552 : i32 to index
        %swap3A_566 = arith.constant 0 : index
        %swap3A_567 = tpu.vector_load %arg9[%swap3A_564, %swap3A_565, %swap3A_566] {strides = array<i32>} : memref<3x80x64xf32, #tpu.memory_space<vmem>>, vector<1x1x16xf32>,
        %swap3A_568 = vector.shape_cast %swap3A_567 : vector<1x1x16xf32> to vector<16xf32>
        %swap3A_569 = vector.shape_cast %add3A_563 : vector<16xf32> to vector<1x1x16xf32>
        tpu.vector_store %arg9[%swap3A_564, %swap3A_565, %swap3A_566], %swap3A_569 {strides = array<i32>} : memref<3x80x64xf32, #tpu.memory_space<vmem>>, vector<1x1x16xf32>,
        %add3A_570 = arith.constant 16 : i32
        %add3A_571 = arith.addi %select_n3A_550, %add3A_570 : i32
        %get3A_572 = arith.index_cast %add3A_571 : i32 to index
        %get3A_573 = tpu.vector_load %arg7[%get3A_572] {strides = array<i32>} : memref<12800xf32, #tpu.memory_space<vmem>>, vector<16xf32>,
        %get3A_574 = vector.shape_cast %get3A_573 : vector<16xf32> to vector<16xf32>
        %get3A_575 = arith.index_cast %rem3A_122 : i32 to index
        %get3A_576 = arith.index_cast %scan3A_552 : i32 to index
        %get3A_577 = arith.constant 16 : index
        %get3A_578 = tpu.vector_load %arg8[%get3A_575, %get3A_576, %get3A_577] {strides = array<i32>} : memref<5x80x128xf32, #tpu.memory_space<vmem>>, vector<1x1x16xf32>,
        %get3A_579 = vector.shape_cast %get3A_578 : vector<1x1x16xf32> to vector<16xf32>
        %add3A_580 = arith.addf %get3A_579, %get3A_574 : vector<16xf32>
        %swap3A_581 = arith.index_cast %rem3A_124 : i32 to index
        %swap3A_582 = arith.index_cast %scan3A_552 : i32 to index
        %swap3A_583 = arith.constant 16 : index
        %swap3A_584 = tpu.vector_load %arg9[%swap3A_581, %swap3A_582, %swap3A_583] {strides = array<i32>} : memref<3x80x64xf32, #tpu.memory_space<vmem>>, vector<1x1x16xf32>,
        %swap3A_585 = vector.shape_cast %swap3A_584 : vector<1x1x16xf32> to vector<16xf32>
        %swap3A_586 = vector.shape_cast %add3A_580 : vector<16xf32> to vector<1x1x16xf32>
        tpu.vector_store %arg9[%swap3A_581, %swap3A_582, %swap3A_583], %swap3A_586 {strides = array<i32>} : memref<3x80x64xf32, #tpu.memory_space<vmem>>, vector<1x1x16xf32>,
        %add3A_587 = arith.constant 32 : i32
        %add3A_588 = arith.addi %select_n3A_550, %add3A_587 : i32
        %get3A_589 = arith.index_cast %add3A_588 : i32 to index
        %get3A_590 = tpu.vector_load %arg7[%get3A_589] {strides = array<i32>} : memref<12800xf32, #tpu.memory_space<vmem>>, vector<16xf32>,
        %get3A_591 = vector.shape_cast %get3A_590 : vector<16xf32> to vector<16xf32>
        %get3A_592 = arith.index_cast %rem3A_122 : i32 to index
        %get3A_593 = arith.index_cast %scan3A_552 : i32 to index
        %get3A_594 = arith.constant 32 : index
        %get3A_595 = tpu.vector_load %arg8[%get3A_592, %get3A_593, %get3A_594] {strides = array<i32>} : memref<5x80x128xf32, #tpu.memory_space<vmem>>, vector<1x1x16xf32>,
        %get3A_596 = vector.shape_cast %get3A_595 : vector<1x1x16xf32> to vector<16xf32>
        %add3A_597 = arith.addf %get3A_596, %get3A_591 : vector<16xf32>
        %swap3A_598 = arith.index_cast %rem3A_124 : i32 to index
        %swap3A_599 = arith.index_cast %scan3A_552 : i32 to index
        %swap3A_600 = arith.constant 32 : index
        %swap3A_601 = tpu.vector_load %arg9[%swap3A_598, %swap3A_599, %swap3A_600] {strides = array<i32>} : memref<3x80x64xf32, #tpu.memory_space<vmem>>, vector<1x1x16xf32>,
        %swap3A_602 = vector.shape_cast %swap3A_601 : vector<1x1x16xf32> to vector<16xf32>
        %swap3A_603 = vector.shape_cast %add3A_597 : vector<16xf32> to vector<1x1x16xf32>
        tpu.vector_store %arg9[%swap3A_598, %swap3A_599, %swap3A_600], %swap3A_603 {strides = array<i32>} : memref<3x80x64xf32, #tpu.memory_space<vmem>>, vector<1x1x16xf32>,
        %add3A_604 = arith.constant 48 : i32
        %add3A_605 = arith.addi %select_n3A_550, %add3A_604 : i32
        %get3A_606 = arith.index_cast %add3A_605 : i32 to index
        %get3A_607 = tpu.vector_load %arg7[%get3A_606] {strides = array<i32>} : memref<12800xf32, #tpu.memory_space<vmem>>, vector<16xf32>,
        %get3A_608 = vector.shape_cast %get3A_607 : vector<16xf32> to vector<16xf32>
        %get3A_609 = arith.index_cast %rem3A_122 : i32 to index
        %get3A_610 = arith.index_cast %scan3A_552 : i32 to index
        %get3A_611 = arith.constant 48 : index
        %get3A_612 = tpu.vector_load %arg8[%get3A_609, %get3A_610, %get3A_611] {strides = array<i32>} : memref<5x80x128xf32, #tpu.memory_space<vmem>>, vector<1x1x16xf32>,
        %get3A_613 = vector.shape_cast %get3A_612 : vector<1x1x16xf32> to vector<16xf32>
        %add3A_614 = arith.addf %get3A_613, %get3A_608 : vector<16xf32>
        %swap3A_615 = arith.index_cast %rem3A_124 : i32 to index
        %swap3A_616 = arith.index_cast %scan3A_552 : i32 to index
        %swap3A_617 = arith.constant 48 : index
        %swap3A_618 = tpu.vector_load %arg9[%swap3A_615, %swap3A_616, %swap3A_617] {strides = array<i32>} : memref<3x80x64xf32, #tpu.memory_space<vmem>>, vector<1x1x16xf32>,
        %swap3A_619 = vector.shape_cast %swap3A_618 : vector<1x1x16xf32> to vector<16xf32>
        %swap3A_620 = vector.shape_cast %add3A_614 : vector<16xf32> to vector<1x1x16xf32>
        tpu.vector_store %arg9[%swap3A_615, %swap3A_616, %swap3A_617], %swap3A_620 {strides = array<i32>} : memref<3x80x64xf32, #tpu.memory_space<vmem>>, vector<1x1x16xf32>,
        %add3A_621 = arith.constant 64 : i32
        %add3A_622 = arith.addi %select_n3A_550, %add3A_621 : i32
        %ge3A_623 = arith.constant 12800 : i32
        %ge3A_624 = arith.cmpi sge, %add3A_622, %ge3A_623 : i32
        %select_n3A_625 = arith.constant 0 : i32
        %select_n3A_626 = arith.select %ge3A_624, %select_n3A_625, %add3A_622 : i32
        %scan3A_627 = arith.constant 6 : i32
        %scan3A_628 = arith.addi %scan3A_174, %scan3A_627 : i32
        %add3A_629 = arith.constant 0 : i32
        %add3A_630 = arith.addi %select_n3A_626, %add3A_629 : i32
        %get3A_631 = arith.index_cast %add3A_630 : i32 to index
        %get3A_632 = tpu.vector_load %arg7[%get3A_631] {strides = array<i32>} : memref<12800xf32, #tpu.memory_space<vmem>>, vector<16xf32>,
        %get3A_633 = vector.shape_cast %get3A_632 : vector<16xf32> to vector<16xf32>
        %get3A_634 = arith.index_cast %rem3A_122 : i32 to index
        %get3A_635 = arith.index_cast %scan3A_628 : i32 to index
        %get3A_636 = arith.constant 0 : index
        %get3A_637 = tpu.vector_load %arg8[%get3A_634, %get3A_635, %get3A_636] {strides = array<i32>} : memref<5x80x128xf32, #tpu.memory_space<vmem>>, vector<1x1x16xf32>,
        %get3A_638 = vector.shape_cast %get3A_637 : vector<1x1x16xf32> to vector<16xf32>
        %add3A_639 = arith.addf %get3A_638, %get3A_633 : vector<16xf32>
        %swap3A_640 = arith.index_cast %rem3A_124 : i32 to index
        %swap3A_641 = arith.index_cast %scan3A_628 : i32 to index
        %swap3A_642 = arith.constant 0 : index
        %swap3A_643 = tpu.vector_load %arg9[%swap3A_640, %swap3A_641, %swap3A_642] {strides = array<i32>} : memref<3x80x64xf32, #tpu.memory_space<vmem>>, vector<1x1x16xf32>,
        %swap3A_644 = vector.shape_cast %swap3A_643 : vector<1x1x16xf32> to vector<16xf32>
        %swap3A_645 = vector.shape_cast %add3A_639 : vector<16xf32> to vector<1x1x16xf32>
        tpu.vector_store %arg9[%swap3A_640, %swap3A_641, %swap3A_642], %swap3A_645 {strides = array<i32>} : memref<3x80x64xf32, #tpu.memory_space<vmem>>, vector<1x1x16xf32>,
        %add3A_646 = arith.constant 16 : i32
        %add3A_647 = arith.addi %select_n3A_626, %add3A_646 : i32
        %get3A_648 = arith.index_cast %add3A_647 : i32 to index
        %get3A_649 = tpu.vector_load %arg7[%get3A_648] {strides = array<i32>} : memref<12800xf32, #tpu.memory_space<vmem>>, vector<16xf32>,
        %get3A_650 = vector.shape_cast %get3A_649 : vector<16xf32> to vector<16xf32>
        %get3A_651 = arith.index_cast %rem3A_122 : i32 to index
        %get3A_652 = arith.index_cast %scan3A_628 : i32 to index
        %get3A_653 = arith.constant 16 : index
        %get3A_654 = tpu.vector_load %arg8[%get3A_651, %get3A_652, %get3A_653] {strides = array<i32>} : memref<5x80x128xf32, #tpu.memory_space<vmem>>, vector<1x1x16xf32>,
        %get3A_655 = vector.shape_cast %get3A_654 : vector<1x1x16xf32> to vector<16xf32>
        %add3A_656 = arith.addf %get3A_655, %get3A_650 : vector<16xf32>
        %swap3A_657 = arith.index_cast %rem3A_124 : i32 to index
        %swap3A_658 = arith.index_cast %scan3A_628 : i32 to index
        %swap3A_659 = arith.constant 16 : index
        %swap3A_660 = tpu.vector_load %arg9[%swap3A_657, %swap3A_658, %swap3A_659] {strides = array<i32>} : memref<3x80x64xf32, #tpu.memory_space<vmem>>, vector<1x1x16xf32>,
        %swap3A_661 = vector.shape_cast %swap3A_660 : vector<1x1x16xf32> to vector<16xf32>
        %swap3A_662 = vector.shape_cast %add3A_656 : vector<16xf32> to vector<1x1x16xf32>
        tpu.vector_store %arg9[%swap3A_657, %swap3A_658, %swap3A_659], %swap3A_662 {strides = array<i32>} : memref<3x80x64xf32, #tpu.memory_space<vmem>>, vector<1x1x16xf32>,
        %add3A_663 = arith.constant 32 : i32
        %add3A_664 = arith.addi %select_n3A_626, %add3A_663 : i32
        %get3A_665 = arith.index_cast %add3A_664 : i32 to index
        %get3A_666 = tpu.vector_load %arg7[%get3A_665] {strides = array<i32>} : memref<12800xf32, #tpu.memory_space<vmem>>, vector<16xf32>,
        %get3A_667 = vector.shape_cast %get3A_666 : vector<16xf32> to vector<16xf32>
        %get3A_668 = arith.index_cast %rem3A_122 : i32 to index
        %get3A_669 = arith.index_cast %scan3A_628 : i32 to index
        %get3A_670 = arith.constant 32 : index
        %get3A_671 = tpu.vector_load %arg8[%get3A_668, %get3A_669, %get3A_670] {strides = array<i32>} : memref<5x80x128xf32, #tpu.memory_space<vmem>>, vector<1x1x16xf32>,
        %get3A_672 = vector.shape_cast %get3A_671 : vector<1x1x16xf32> to vector<16xf32>
        %add3A_673 = arith.addf %get3A_672, %get3A_667 : vector<16xf32>
        %swap3A_674 = arith.index_cast %rem3A_124 : i32 to index
        %swap3A_675 = arith.index_cast %scan3A_628 : i32 to index
        %swap3A_676 = arith.constant 32 : index
        %swap3A_677 = tpu.vector_load %arg9[%swap3A_674, %swap3A_675, %swap3A_676] {strides = array<i32>} : memref<3x80x64xf32, #tpu.memory_space<vmem>>, vector<1x1x16xf32>,
        %swap3A_678 = vector.shape_cast %swap3A_677 : vector<1x1x16xf32> to vector<16xf32>
        %swap3A_679 = vector.shape_cast %add3A_673 : vector<16xf32> to vector<1x1x16xf32>
        tpu.vector_store %arg9[%swap3A_674, %swap3A_675, %swap3A_676], %swap3A_679 {strides = array<i32>} : memref<3x80x64xf32, #tpu.memory_space<vmem>>, vector<1x1x16xf32>,
        %add3A_680 = arith.constant 48 : i32
        %add3A_681 = arith.addi %select_n3A_626, %add3A_680 : i32
        %get3A_682 = arith.index_cast %add3A_681 : i32 to index
        %get3A_683 = tpu.vector_load %arg7[%get3A_682] {strides = array<i32>} : memref<12800xf32, #tpu.memory_space<vmem>>, vector<16xf32>,
        %get3A_684 = vector.shape_cast %get3A_683 : vector<16xf32> to vector<16xf32>
        %get3A_685 = arith.index_cast %rem3A_122 : i32 to index
        %get3A_686 = arith.index_cast %scan3A_628 : i32 to index
        %get3A_687 = arith.constant 48 : index
        %get3A_688 = tpu.vector_load %arg8[%get3A_685, %get3A_686, %get3A_687] {strides = array<i32>} : memref<5x80x128xf32, #tpu.memory_space<vmem>>, vector<1x1x16xf32>,
        %get3A_689 = vector.shape_cast %get3A_688 : vector<1x1x16xf32> to vector<16xf32>
        %add3A_690 = arith.addf %get3A_689, %get3A_684 : vector<16xf32>
        %swap3A_691 = arith.index_cast %rem3A_124 : i32 to index
        %swap3A_692 = arith.index_cast %scan3A_628 : i32 to index
        %swap3A_693 = arith.constant 48 : index
        %swap3A_694 = tpu.vector_load %arg9[%swap3A_691, %swap3A_692, %swap3A_693] {strides = array<i32>} : memref<3x80x64xf32, #tpu.memory_space<vmem>>, vector<1x1x16xf32>,
        %swap3A_695 = vector.shape_cast %swap3A_694 : vector<1x1x16xf32> to vector<16xf32>
        %swap3A_696 = vector.shape_cast %add3A_690 : vector<16xf32> to vector<1x1x16xf32>
        tpu.vector_store %arg9[%swap3A_691, %swap3A_692, %swap3A_693], %swap3A_696 {strides = array<i32>} : memref<3x80x64xf32, #tpu.memory_space<vmem>>, vector<1x1x16xf32>,
        %add3A_697 = arith.constant 64 : i32
        %add3A_698 = arith.addi %select_n3A_626, %add3A_697 : i32
        %ge3A_699 = arith.constant 12800 : i32
        %ge3A_700 = arith.cmpi sge, %add3A_698, %ge3A_699 : i32
        %select_n3A_701 = arith.constant 0 : i32
        %select_n3A_702 = arith.select %ge3A_700, %select_n3A_701, %add3A_698 : i32
        %scan3A_703 = arith.constant 7 : i32
        %scan3A_704 = arith.addi %scan3A_174, %scan3A_703 : i32
        %add3A_705 = arith.constant 0 : i32
        %add3A_706 = arith.addi %select_n3A_702, %add3A_705 : i32
        %get3A_707 = arith.index_cast %add3A_706 : i32 to index
        %get3A_708 = tpu.vector_load %arg7[%get3A_707] {strides = array<i32>} : memref<12800xf32, #tpu.memory_space<vmem>>, vector<16xf32>,
        %get3A_709 = vector.shape_cast %get3A_708 : vector<16xf32> to vector<16xf32>
        %get3A_710 = arith.index_cast %rem3A_122 : i32 to index
        %get3A_711 = arith.index_cast %scan3A_704 : i32 to index
        %get3A_712 = arith.constant 0 : index
        %get3A_713 = tpu.vector_load %arg8[%get3A_710, %get3A_711, %get3A_712] {strides = array<i32>} : memref<5x80x128xf32, #tpu.memory_space<vmem>>, vector<1x1x16xf32>,
        %get3A_714 = vector.shape_cast %get3A_713 : vector<1x1x16xf32> to vector<16xf32>
        %add3A_715 = arith.addf %get3A_714, %get3A_709 : vector<16xf32>
        %swap3A_716 = arith.index_cast %rem3A_124 : i32 to index
        %swap3A_717 = arith.index_cast %scan3A_704 : i32 to index
        %swap3A_718 = arith.constant 0 : index
        %swap3A_719 = tpu.vector_load %arg9[%swap3A_716, %swap3A_717, %swap3A_718] {strides = array<i32>} : memref<3x80x64xf32, #tpu.memory_space<vmem>>, vector<1x1x16xf32>,
        %swap3A_720 = vector.shape_cast %swap3A_719 : vector<1x1x16xf32> to vector<16xf32>
        %swap3A_721 = vector.shape_cast %add3A_715 : vector<16xf32> to vector<1x1x16xf32>
        tpu.vector_store %arg9[%swap3A_716, %swap3A_717, %swap3A_718], %swap3A_721 {strides = array<i32>} : memref<3x80x64xf32, #tpu.memory_space<vmem>>, vector<1x1x16xf32>,
        %add3A_722 = arith.constant 16 : i32
        %add3A_723 = arith.addi %select_n3A_702, %add3A_722 : i32
        %get3A_724 = arith.index_cast %add3A_723 : i32 to index
        %get3A_725 = tpu.vector_load %arg7[%get3A_724] {strides = array<i32>} : memref<12800xf32, #tpu.memory_space<vmem>>, vector<16xf32>,
        %get3A_726 = vector.shape_cast %get3A_725 : vector<16xf32> to vector<16xf32>
        %get3A_727 = arith.index_cast %rem3A_122 : i32 to index
        %get3A_728 = arith.index_cast %scan3A_704 : i32 to index
        %get3A_729 = arith.constant 16 : index
        %get3A_730 = tpu.vector_load %arg8[%get3A_727, %get3A_728, %get3A_729] {strides = array<i32>} : memref<5x80x128xf32, #tpu.memory_space<vmem>>, vector<1x1x16xf32>,
        %get3A_731 = vector.shape_cast %get3A_730 : vector<1x1x16xf32> to vector<16xf32>
        %add3A_732 = arith.addf %get3A_731, %get3A_726 : vector<16xf32>
        %swap3A_733 = arith.index_cast %rem3A_124 : i32 to index
        %swap3A_734 = arith.index_cast %scan3A_704 : i32 to index
        %swap3A_735 = arith.constant 16 : index
        %swap3A_736 = tpu.vector_load %arg9[%swap3A_733, %swap3A_734, %swap3A_735] {strides = array<i32>} : memref<3x80x64xf32, #tpu.memory_space<vmem>>, vector<1x1x16xf32>,
        %swap3A_737 = vector.shape_cast %swap3A_736 : vector<1x1x16xf32> to vector<16xf32>
        %swap3A_738 = vector.shape_cast %add3A_732 : vector<16xf32> to vector<1x1x16xf32>
        tpu.vector_store %arg9[%swap3A_733, %swap3A_734, %swap3A_735], %swap3A_738 {strides = array<i32>} : memref<3x80x64xf32, #tpu.memory_space<vmem>>, vector<1x1x16xf32>,
        %add3A_739 = arith.constant 32 : i32
        %add3A_740 = arith.addi %select_n3A_702, %add3A_739 : i32
        %get3A_741 = arith.index_cast %add3A_740 : i32 to index
        %get3A_742 = tpu.vector_load %arg7[%get3A_741] {strides = array<i32>} : memref<12800xf32, #tpu.memory_space<vmem>>, vector<16xf32>,
        %get3A_743 = vector.shape_cast %get3A_742 : vector<16xf32> to vector<16xf32>
        %get3A_744 = arith.index_cast %rem3A_122 : i32 to index
        %get3A_745 = arith.index_cast %scan3A_704 : i32 to index
        %get3A_746 = arith.constant 32 : index
        %get3A_747 = tpu.vector_load %arg8[%get3A_744, %get3A_745, %get3A_746] {strides = array<i32>} : memref<5x80x128xf32, #tpu.memory_space<vmem>>, vector<1x1x16xf32>,
        %get3A_748 = vector.shape_cast %get3A_747 : vector<1x1x16xf32> to vector<16xf32>
        %add3A_749 = arith.addf %get3A_748, %get3A_743 : vector<16xf32>
        %swap3A_750 = arith.index_cast %rem3A_124 : i32 to index
        %swap3A_751 = arith.index_cast %scan3A_704 : i32 to index
        %swap3A_752 = arith.constant 32 : index
        %swap3A_753 = tpu.vector_load %arg9[%swap3A_750, %swap3A_751, %swap3A_752] {strides = array<i32>} : memref<3x80x64xf32, #tpu.memory_space<vmem>>, vector<1x1x16xf32>,
        %swap3A_754 = vector.shape_cast %swap3A_753 : vector<1x1x16xf32> to vector<16xf32>
        %swap3A_755 = vector.shape_cast %add3A_749 : vector<16xf32> to vector<1x1x16xf32>
        tpu.vector_store %arg9[%swap3A_750, %swap3A_751, %swap3A_752], %swap3A_755 {strides = array<i32>} : memref<3x80x64xf32, #tpu.memory_space<vmem>>, vector<1x1x16xf32>,
        %add3A_756 = arith.constant 48 : i32
        %add3A_757 = arith.addi %select_n3A_702, %add3A_756 : i32
        %get3A_758 = arith.index_cast %add3A_757 : i32 to index
        %get3A_759 = tpu.vector_load %arg7[%get3A_758] {strides = array<i32>} : memref<12800xf32, #tpu.memory_space<vmem>>, vector<16xf32>,
        %get3A_760 = vector.shape_cast %get3A_759 : vector<16xf32> to vector<16xf32>
        %get3A_761 = arith.index_cast %rem3A_122 : i32 to index
        %get3A_762 = arith.index_cast %scan3A_704 : i32 to index
        %get3A_763 = arith.constant 48 : index
        %get3A_764 = tpu.vector_load %arg8[%get3A_761, %get3A_762, %get3A_763] {strides = array<i32>} : memref<5x80x128xf32, #tpu.memory_space<vmem>>, vector<1x1x16xf32>,
        %get3A_765 = vector.shape_cast %get3A_764 : vector<1x1x16xf32> to vector<16xf32>
        %add3A_766 = arith.addf %get3A_765, %get3A_760 : vector<16xf32>
        %swap3A_767 = arith.index_cast %rem3A_124 : i32 to index
        %swap3A_768 = arith.index_cast %scan3A_704 : i32 to index
        %swap3A_769 = arith.constant 48 : index
        %swap3A_770 = tpu.vector_load %arg9[%swap3A_767, %swap3A_768, %swap3A_769] {strides = array<i32>} : memref<3x80x64xf32, #tpu.memory_space<vmem>>, vector<1x1x16xf32>,
        %swap3A_771 = vector.shape_cast %swap3A_770 : vector<1x1x16xf32> to vector<16xf32>
        %swap3A_772 = vector.shape_cast %add3A_766 : vector<16xf32> to vector<1x1x16xf32>
        tpu.vector_store %arg9[%swap3A_767, %swap3A_768, %swap3A_769], %swap3A_772 {strides = array<i32>} : memref<3x80x64xf32, #tpu.memory_space<vmem>>, vector<1x1x16xf32>,
        %add3A_773 = arith.constant 64 : i32
        %add3A_774 = arith.addi %select_n3A_702, %add3A_773 : i32
        %ge3A_775 = arith.constant 12800 : i32
        %ge3A_776 = arith.cmpi sge, %add3A_774, %ge3A_775 : i32
        %select_n3A_777 = arith.constant 0 : i32
        %select_n3A_778 = arith.select %ge3A_776, %select_n3A_777, %add3A_774 : i32
        scf.yield %select_n3A_778 : i32
      }
      %scan3A_149 = arith.constant 80 : i32
      %mul3A_150 = arith.constant 80 : i32
      %mul3A_151 = arith.muli %scan3A_120, %mul3A_150 : i32
      %add3A_152 = arith.addi %mul3A_2, %mul3A_151 : i32
      %dma_start3A_153 = arith.constant 0 : i32
      %dma_start3A_154 = arith.constant 0 : i32
      %dma_start3A_155 = tpu.memref_slice %arg9[%rem3A_124, %dma_start3A_153, %dma_start3A_154] : memref<3x80x64xf32, #tpu.memory_space<vmem>> -> memref<1x80x64xf32, #tpu.memory_space<vmem>>
      %dma_start3A_156 = tpu.memref_squeeze %dma_start3A_155 : memref<1x80x64xf32, #tpu.memory_space<vmem>> -> memref<80x64xf32, #tpu.memory_space<vmem>>
      %dma_start3A_157 = arith.constant 0 : i32
      %dma_start3A_158 = tpu.memref_slice %arg5[%add3A_152, %dma_start3A_157] : memref<819200x64xf32, #tpu.memory_space<hbm>> -> memref<80x64xf32, #tpu.memory_space<hbm>>
      %dma_start3A_159 = tpu.memref_slice %arg11[%rem3A_124] : memref<3x!tpu.dma_semaphore, #tpu.memory_space<semaphore_mem>> -> memref<1x!tpu.dma_semaphore, #tpu.memory_space<semaphore_mem>>
      %dma_start3A_160 = tpu.memref_squeeze %dma_start3A_159 : memref<1x!tpu.dma_semaphore, #tpu.memory_space<semaphore_mem>> -> memref<!tpu.dma_semaphore, #tpu.memory_space<semaphore_mem>>
      %dma_start3A_161 = arith.constant 0 : i32
      %dma_start3A_162 = tpu.memref_slice %arg5[%add3A_152, %dma_start3A_161] : memref<819200x64xf32, #tpu.memory_space<hbm>> -> memref<80x64xf32, #tpu.memory_space<hbm>>
      %dma_start3A_163 = arith.constant 0 : i32
      %dma_start3A_164 = arith.constant 0 : i32
      %dma_start3A_165 = tpu.memref_slice %arg9[%rem3A_124, %dma_start3A_163, %dma_start3A_164] : memref<3x80x64xf32, #tpu.memory_space<vmem>> -> memref<1x80x64xf32, #tpu.memory_space<vmem>>
      %dma_start3A_166 = tpu.memref_squeeze %dma_start3A_165 : memref<1x80x64xf32, #tpu.memory_space<vmem>> -> memref<80x64xf32, #tpu.memory_space<vmem>>
      tpu.enqueue_dma source(%dma_start3A_166 : memref<80x64xf32, #tpu.memory_space<vmem>>) target(%dma_start3A_162 : memref<80x64xf32, #tpu.memory_space<hbm>>) target_semaphore(%dma_start3A_160 : memref<!tpu.dma_semaphore, #tpu.memory_space<semaphore_mem>>)
      %add3A_167 = arith.constant 5 : i32
      %add3A_168 = arith.addi %scan3A_120, %add3A_167 : i32
      %lt3A = arith.constant 320 : i32
      %lt3A_169 = arith.cmpi slt, %add3A_168, %lt3A : i32
      %convert_element_type3A_170 = arith.extui %lt3A_169 : i1 to i32
      %cond3A_171 = arith.constant 0 : i32
      %cond3A_172 = arith.cmpi ne, %convert_element_type3A_170, %cond3A_171 : i32
      scf.if %cond3A_172 {
        %add3A_174 = arith.constant 5 : i32
        %add3A_175 = arith.addi %scan3A_120, %add3A_174 : i32
        %mul3A_176 = arith.constant 80 : i32
        %mul3A_177 = arith.muli %add3A_175, %mul3A_176 : i32
        %dma_start3A_178 = arith.constant 0 : i32
        %dma_start3A_179 = arith.constant 0 : i32
        %dma_start3A_180 = tpu.memref_slice %arg8[%rem3A_122, %dma_start3A_178, %dma_start3A_179] : memref<5x80x128xf32, #tpu.memory_space<vmem>> -> memref<1x80x128xf32, #tpu.memory_space<vmem>>
        %dma_start3A_181 = tpu.memref_squeeze %dma_start3A_180 : memref<1x80x128xf32, #tpu.memory_space<vmem>> -> memref<80x128xf32, #tpu.memory_space<vmem>>
        %dma_start3A_182 = tpu.memref_slice %arg6[%mul3A_177] : memref<25600xi32, #tpu.memory_space<vmem>> -> memref<80xi32, #tpu.memory_space<vmem>>
        %dma_start3A_183 = arith.constant 0 : i32
        %dma_start3A_184 = arith.constant 0 : i32
        %dma_start3A_185 = tpu.memref_slice %arg2[%dma_start3A_183, %dma_start3A_184] : memref<1000000x128xf32, #tpu.memory_space<hbm>> -> memref<1000000x128xf32, #tpu.memory_space<hbm>>
        %dma_start3A_186 = tpu.memref_slice %arg10[%rem3A_122] : memref<5x!tpu.dma_semaphore, #tpu.memory_space<semaphore_mem>> -> memref<1x!tpu.dma_semaphore, #tpu.memory_space<semaphore_mem>>
        %dma_start3A_187 = tpu.memref_squeeze %dma_start3A_186 : memref<1x!tpu.dma_semaphore, #tpu.memory_space<semaphore_mem>> -> memref<!tpu.dma_semaphore, #tpu.memory_space<semaphore_mem>>
        tpu.enqueue_indirect_dma source(%dma_start3A_185 : memref<1000000x128xf32, #tpu.memory_space<hbm>>) target(%dma_start3A_181 : memref<80x128xf32, #tpu.memory_space<vmem>>) offsets(%dma_start3A_182 : memref<80xi32, #tpu.memory_space<vmem>>) semaphore(%dma_start3A_187 : memref<!tpu.dma_semaphore, #tpu.memory_space<semaphore_mem>>)
      } else {
      }
      %scan3A_173 = arith.constant 0 : i32
      scf.yield %scan3A_173 : i32
    }
    %scan3A_72 = arith.constant 320 : i32
    %dma_wait3A = arith.constant 0 : i32
    %dma_wait3A_73 = arith.constant 0 : i32
    %dma_wait3A_74 = arith.constant 0 : i32
    %dma_wait3A_75 = arith.constant 0 : i32
    %dma_wait3A_76 = tpu.memref_slice %arg9[%dma_wait3A, %dma_wait3A_74, %dma_wait3A_75] : memref<3x80x64xf32, #tpu.memory_space<vmem>> -> memref<1x80x64xf32, #tpu.memory_space<vmem>>
    %dma_wait3A_77 = tpu.memref_squeeze %dma_wait3A_76 : memref<1x80x64xf32, #tpu.memory_space<vmem>> -> memref<80x64xf32, #tpu.memory_space<vmem>>
    %dma_wait3A_78 = arith.constant 0 : i32
    %dma_wait3A_79 = tpu.memref_slice %arg5[%mul3A_2, %dma_wait3A_78] : memref<819200x64xf32, #tpu.memory_space<hbm>> -> memref<80x64xf32, #tpu.memory_space<hbm>>
    %dma_wait3A_80 = tpu.memref_slice %arg11[%dma_wait3A_73] : memref<3x!tpu.dma_semaphore, #tpu.memory_space<semaphore_mem>> -> memref<1x!tpu.dma_semaphore, #tpu.memory_space<semaphore_mem>>
    %dma_wait3A_81 = tpu.memref_squeeze %dma_wait3A_80 : memref<1x!tpu.dma_semaphore, #tpu.memory_space<semaphore_mem>> -> memref<!tpu.dma_semaphore, #tpu.memory_space<semaphore_mem>>
    %dma_wait3A_82 = arith.constant 0 : i32
    %dma_wait3A_83 = tpu.memref_slice %arg5[%mul3A_2, %dma_wait3A_82] : memref<819200x64xf32, #tpu.memory_space<hbm>> -> memref<80x64xf32, #tpu.memory_space<hbm>>
    %dma_wait3A_84 = arith.constant 0 : i32
    %dma_wait3A_85 = arith.constant 0 : i32
    %dma_wait3A_86 = tpu.memref_slice %arg9[%dma_wait3A, %dma_wait3A_84, %dma_wait3A_85] : memref<3x80x64xf32, #tpu.memory_space<vmem>> -> memref<1x80x64xf32, #tpu.memory_space<vmem>>
    %dma_wait3A_87 = tpu.memref_squeeze %dma_wait3A_86 : memref<1x80x64xf32, #tpu.memory_space<vmem>> -> memref<80x64xf32, #tpu.memory_space<vmem>>
    tpu.wait_dma2 semaphore(%dma_wait3A_81 : memref<!tpu.dma_semaphore, #tpu.memory_space<semaphore_mem>>) src(%dma_wait3A_87 : memref<80x64xf32, #tpu.memory_space<vmem>>) dst(%dma_wait3A_83 : memref<80x64xf32, #tpu.memory_space<hbm>>)
    %dma_wait3A_88 = arith.constant 1 : i32
    %dma_wait3A_89 = arith.constant 1 : i32
    %dma_wait3A_90 = arith.constant 0 : i32
    %dma_wait3A_91 = arith.constant 0 : i32
    %dma_wait3A_92 = tpu.memref_slice %arg9[%dma_wait3A_88, %dma_wait3A_90, %dma_wait3A_91] : memref<3x80x64xf32, #tpu.memory_space<vmem>> -> memref<1x80x64xf32, #tpu.memory_space<vmem>>
    %dma_wait3A_93 = tpu.memref_squeeze %dma_wait3A_92 : memref<1x80x64xf32, #tpu.memory_space<vmem>> -> memref<80x64xf32, #tpu.memory_space<vmem>>
    %dma_wait3A_94 = arith.constant 0 : i32
    %dma_wait3A_95 = tpu.memref_slice %arg5[%mul3A_2, %dma_wait3A_94] : memref<819200x64xf32, #tpu.memory_space<hbm>> -> memref<80x64xf32, #tpu.memory_space<hbm>>
    %dma_wait3A_96 = tpu.memref_slice %arg11[%dma_wait3A_89] : memref<3x!tpu.dma_semaphore, #tpu.memory_space<semaphore_mem>> -> memref<1x!tpu.dma_semaphore, #tpu.memory_space<semaphore_mem>>
    %dma_wait3A_97 = tpu.memref_squeeze %dma_wait3A_96 : memref<1x!tpu.dma_semaphore, #tpu.memory_space<semaphore_mem>> -> memref<!tpu.dma_semaphore, #tpu.memory_space<semaphore_mem>>
    %dma_wait3A_98 = arith.constant 0 : i32
    %dma_wait3A_99 = tpu.memref_slice %arg5[%mul3A_2, %dma_wait3A_98] : memref<819200x64xf32, #tpu.memory_space<hbm>> -> memref<80x64xf32, #tpu.memory_space<hbm>>
    %dma_wait3A_100 = arith.constant 0 : i32
    %dma_wait3A_101 = arith.constant 0 : i32
    %dma_wait3A_102 = tpu.memref_slice %arg9[%dma_wait3A_88, %dma_wait3A_100, %dma_wait3A_101] : memref<3x80x64xf32, #tpu.memory_space<vmem>> -> memref<1x80x64xf32, #tpu.memory_space<vmem>>
    %dma_wait3A_103 = tpu.memref_squeeze %dma_wait3A_102 : memref<1x80x64xf32, #tpu.memory_space<vmem>> -> memref<80x64xf32, #tpu.memory_space<vmem>>
    tpu.wait_dma2 semaphore(%dma_wait3A_97 : memref<!tpu.dma_semaphore, #tpu.memory_space<semaphore_mem>>) src(%dma_wait3A_103 : memref<80x64xf32, #tpu.memory_space<vmem>>) dst(%dma_wait3A_99 : memref<80x64xf32, #tpu.memory_space<hbm>>)
    %dma_wait3A_104 = arith.constant 2 : i32
    %dma_wait3A_105 = arith.constant 2 : i32
    %dma_wait3A_106 = arith.constant 0 : i32
    %dma_wait3A_107 = arith.constant 0 : i32
    %dma_wait3A_108 = tpu.memref_slice %arg9[%dma_wait3A_104, %dma_wait3A_106, %dma_wait3A_107] : memref<3x80x64xf32, #tpu.memory_space<vmem>> -> memref<1x80x64xf32, #tpu.memory_space<vmem>>
    %dma_wait3A_109 = tpu.memref_squeeze %dma_wait3A_108 : memref<1x80x64xf32, #tpu.memory_space<vmem>> -> memref<80x64xf32, #tpu.memory_space<vmem>>
    %dma_wait3A_110 = arith.constant 0 : i32
    %dma_wait3A_111 = tpu.memref_slice %arg5[%mul3A_2, %dma_wait3A_110] : memref<819200x64xf32, #tpu.memory_space<hbm>> -> memref<80x64xf32, #tpu.memory_space<hbm>>
    %dma_wait3A_112 = tpu.memref_slice %arg11[%dma_wait3A_105] : memref<3x!tpu.dma_semaphore, #tpu.memory_space<semaphore_mem>> -> memref<1x!tpu.dma_semaphore, #tpu.memory_space<semaphore_mem>>
    %dma_wait3A_113 = tpu.memref_squeeze %dma_wait3A_112 : memref<1x!tpu.dma_semaphore, #tpu.memory_space<semaphore_mem>> -> memref<!tpu.dma_semaphore, #tpu.memory_space<semaphore_mem>>
    %dma_wait3A_114 = arith.constant 0 : i32
    %dma_wait3A_115 = tpu.memref_slice %arg5[%mul3A_2, %dma_wait3A_114] : memref<819200x64xf32, #tpu.memory_space<hbm>> -> memref<80x64xf32, #tpu.memory_space<hbm>>
    %dma_wait3A_116 = arith.constant 0 : i32
    %dma_wait3A_117 = arith.constant 0 : i32
    %dma_wait3A_118 = tpu.memref_slice %arg9[%dma_wait3A_104, %dma_wait3A_116, %dma_wait3A_117] : memref<3x80x64xf32, #tpu.memory_space<vmem>> -> memref<1x80x64xf32, #tpu.memory_space<vmem>>
    %dma_wait3A_119 = tpu.memref_squeeze %dma_wait3A_118 : memref<1x80x64xf32, #tpu.memory_space<vmem>> -> memref<80x64xf32, #tpu.memory_space<vmem>>
    tpu.wait_dma2 semaphore(%dma_wait3A_113 : memref<!tpu.dma_semaphore, #tpu.memory_space<semaphore_mem>>) src(%dma_wait3A_119 : memref<80x64xf32, #tpu.memory_space<vmem>>) dst(%dma_wait3A_115 : memref<80x64xf32, #tpu.memory_space<hbm>>)
    return
  }
}

module attributes {stable_mosaic.version = 14 : i64} {
  func.func @_enc_body(%arg0: memref<200x64xf32, #tpu.memory_space<vmem>>) attributes {dimension_semantics = [], scalar_prefetch = 0 : i64, scratch_operands = 0 : i64, tpu.core_type = #tpu.core_type<tc>} {
    %iota3A = tpu.iota {dimensions = array<i32: 0>} : vector<200x64xi32>
    %convert_element_type3A = arith.sitofp %iota3A : vector<200x64xi32> to vector<200x64xf32>
    %iota3A_0 = tpu.iota {dimensions = array<i32: 1>} : vector<200x64xi32>
    %jit3A = arith.constant 2 : i32
    %div3A = vector.broadcast %jit3A : i32 to vector<200x64xi32>
    %div3A_1 = arith.divsi %iota3A_0, %div3A : vector<200x64xi32>
    %sign3A = arith.constant 0 : i32
    %sign3A_2 = vector.broadcast %sign3A : i32 to vector<200x64xi32>
    %sign3A_3 = arith.cmpi sgt, %iota3A_0, %sign3A_2 : vector<200x64xi32>
    %sign3A_4 = arith.extui %sign3A_3 : vector<200x64xi1> to vector<200x64xi32>
    %sign3A_5 = arith.constant 0 : i32
    %sign3A_6 = vector.broadcast %sign3A_5 : i32 to vector<200x64xi32>
    %sign3A_7 = arith.cmpi slt, %iota3A_0, %sign3A_6 : vector<200x64xi32>
    %sign3A_8 = arith.extui %sign3A_7 : vector<200x64xi1> to vector<200x64xi32>
    %sign3A_9 = arith.subi %sign3A_4, %sign3A_8 : vector<200x64xi32>
    %sign3A_10 = arith.constant 0 : i32
    %sign3A_11 = arith.cmpi sgt, %jit3A, %sign3A_10 : i32
    %sign3A_12 = arith.extui %sign3A_11 : i1 to i32
    %sign3A_13 = arith.constant 0 : i32
    %sign3A_14 = arith.cmpi slt, %jit3A, %sign3A_13 : i32
    %sign3A_15 = arith.extui %sign3A_14 : i1 to i32
    %sign3A_16 = arith.subi %sign3A_12, %sign3A_15 : i32
    %ne3A = vector.broadcast %sign3A_16 : i32 to vector<200x64xi32>
    %ne3A_17 = arith.cmpi ne, %sign3A_9, %ne3A : vector<200x64xi32>
    %rem3A = vector.broadcast %jit3A : i32 to vector<200x64xi32>
    %rem3A_18 = arith.remsi %iota3A_0, %rem3A : vector<200x64xi32>
    %ne3A_19 = arith.constant 0 : i32
    %ne3A_20 = vector.broadcast %ne3A_19 : i32 to vector<200x64xi32>
    %ne3A_21 = arith.cmpi ne, %rem3A_18, %ne3A_20 : vector<200x64xi32>
    %and3A = arith.andi %ne3A_17, %ne3A_21 : vector<200x64xi1>
    %sub3A = arith.constant 1 : i32
    %sub3A_22 = vector.broadcast %sub3A : i32 to vector<200x64xi32>
    %sub3A_23 = arith.subi %div3A_1, %sub3A_22 : vector<200x64xi32>
    %select_n3A = arith.select %and3A, %sub3A_23, %div3A_1 : vector<200x64xi1>, vector<200x64xi32>
    %convert_element_type3A_24 = arith.sitofp %select_n3A : vector<200x64xi32> to vector<200x64xf32>
    %mul3A = arith.constant 3.125000e-02 : f32
    %mul3A_25 = vector.broadcast %mul3A : f32 to vector<200x64xf32>
    %mul3A_26 = arith.mulf %convert_element_type3A_24, %mul3A_25 : vector<200x64xf32>
    %log3A = arith.constant 1.000000e+04 : f32
    %log3A_27 = math.log %log3A : f32
    %mul3A_28 = vector.broadcast %log3A_27 : f32 to vector<200x64xf32>
    %mul3A_29 = arith.mulf %mul3A_26, %mul3A_28 : vector<200x64xf32>
    %exp3A = math.exp %mul3A_29 : vector<200x64xf32>
    %div3A_30 = arith.divf %convert_element_type3A, %exp3A : vector<200x64xf32>
    %jit3A_31 = arith.constant 2 : i32
    %eq3A = arith.constant 0 : i32
    %eq3A_32 = arith.cmpi eq, %jit3A_31, %eq3A : i32
    %jit3A_33 = arith.constant 1 : i32
    %select_n3A_34 = arith.select %eq3A_32, %jit3A_33, %jit3A_31 : i32
    %rem3A_35 = vector.broadcast %select_n3A_34 : i32 to vector<200x64xi32>
    %rem3A_36 = arith.remsi %iota3A_0, %rem3A_35 : vector<200x64xi32>
    %ne3A_37 = arith.constant 0 : i32
    %ne3A_38 = vector.broadcast %ne3A_37 : i32 to vector<200x64xi32>
    %ne3A_39 = arith.cmpi ne, %rem3A_36, %ne3A_38 : vector<200x64xi32>
    %lt3A = arith.constant 0 : i32
    %lt3A_40 = vector.broadcast %lt3A : i32 to vector<200x64xi32>
    %lt3A_41 = arith.cmpi slt, %rem3A_36, %lt3A_40 : vector<200x64xi32>
    %lt3A_42 = arith.constant 0 : i32
    %lt3A_43 = arith.cmpi slt, %select_n3A_34, %lt3A_42 : i32
    %ne3A_44 = vector.broadcast %lt3A_43 : i1 to vector<200x64xi1>
    %ne3A_45 = vector.broadcast %ne3A_44 : vector<200x64xi1> to vector<200x64xi1>
    %ne3A_46 = arith.xori %lt3A_41, %ne3A_45 : vector<200x64xi1>
    %and3A_47 = arith.andi %ne3A_46, %ne3A_39 : vector<200x64xi1>
    %add3A = vector.broadcast %select_n3A_34 : i32 to vector<200x64xi32>
    %add3A_48 = arith.addi %rem3A_36, %add3A : vector<200x64xi32>
    %select_n3A_49 = arith.select %and3A_47, %add3A_48, %rem3A_36 : vector<200x64xi1>, vector<200x64xi32>
    %eq3A_50 = arith.constant 0 : i32
    %eq3A_51 = vector.broadcast %eq3A_50 : i32 to vector<200x64xi32>
    %eq3A_52 = arith.cmpi eq, %select_n3A_49, %eq3A_51 : vector<200x64xi32>
    %sin3A = math.sin %div3A_30 : vector<200x64xf32>
    %cos3A = math.cos %div3A_30 : vector<200x64xf32>
    %select_n3A_53 = arith.select %eq3A_52, %sin3A, %cos3A : vector<200x64xi1>, vector<200x64xf32>
    %swap3A = arith.constant 0 : index
    %swap3A_54 = arith.constant 0 : index
    %swap3A_55 = vector.load %arg0[%swap3A, %swap3A_54] : memref<200x64xf32, #tpu.memory_space<vmem>>, vector<200x64xf32>
    tpu.vector_store %arg0[%swap3A, %swap3A_54], %select_n3A_53 {strides = array<i32>} : memref<200x64xf32, #tpu.memory_space<vmem>>, vector<200x64xf32>,
    return
  }
}

module attributes {stable_mosaic.version = 14 : i64} {
  func.func @_detile_body(%arg0: i32, %arg1: memref<64x4096xf32, #tpu.memory_space<vmem>>, %arg2: memref<4096x128xf32, #tpu.memory_space<vmem>>) attributes {dimension_semantics = [#tpu.dimension_semantics<arbitrary>], iteration_bounds = array<i64: 245>, scalar_prefetch = 0 : i64, scratch_operands = 0 : i64, tpu.core_type = #tpu.core_type<tc>, window_params = [{transform_indices = @transform_0, window_bounds = array<i64: 64, 4096>}, {transform_indices = @transform_1, window_bounds = array<i64: 4096, 128>}]} {
    %iota3A = tpu.iota {dimensions = array<i32: 0>} : vector<64x64xi32>
    %iota3A_0 = tpu.iota {dimensions = array<i32: 1>} : vector<64x64xi32>
    %add3A = arith.constant 0 : i32
    %add3A_1 = vector.broadcast %add3A : i32 to vector<64x64xi32>
    %add3A_2 = arith.addi %iota3A, %add3A_1 : vector<64x64xi32>
    %eq3A = arith.cmpi eq, %add3A_2, %iota3A_0 : vector<64x64xi32>
    %convert_element_type3A = arith.extui %eq3A : vector<64x64xi1> to vector<64x64xi32>
    %convert_element_type3A_3 = arith.sitofp %convert_element_type3A : vector<64x64xi32> to vector<64x64xf32>
    %get3A = arith.constant 0 : index
    %get3A_4 = arith.constant 0 : index
    %get3A_5 = vector.load %arg1[%get3A, %get3A_4] : memref<64x4096xf32, #tpu.memory_space<vmem>>, vector<64x4096xf32>
    %dot_general3A = arith.constant dense<0.000000e+00> : vector<4096x64xf32>
    %dot_general3A_6 = tpu.matmul %get3A_5, %convert_element_type3A_3, %dot_general3A {dimension_numbers = #tpu.dot_dimension_numbers<[0], [0], [1], [1], [0, 1, 1, 1], [], []>, precision = #tpu.contract_precision<fp32>, transpose_lhs_hint = false} : vector<64x4096xf32>, vector<64x64xf32>, vector<4096x64xf32> -> vector<4096x64xf32>
    %concatenate3A = tpu.concatenate %dot_general3A_6, %dot_general3A_6 in 1 : vector<4096x64xf32>, vector<4096x64xf32> -> vector<4096x128xf32>
    %swap3A = arith.constant 0 : index
    %swap3A_7 = arith.constant 0 : index
    %swap3A_8 = vector.load %arg2[%swap3A, %swap3A_7] : memref<4096x128xf32, #tpu.memory_space<vmem>>, vector<4096x128xf32>
    tpu.vector_store %arg2[%swap3A, %swap3A_7], %concatenate3A {strides = array<i32>} : memref<4096x128xf32, #tpu.memory_space<vmem>>, vector<4096x128xf32>,
    return
  }
  func.func @transform_0(%arg0: i32) -> (i32, i32) {
    %c0_i32 = arith.constant 0 : i32
    %c0_i32_0 = arith.constant 0 : i32
    return %c0_i32, %arg0 : i32, i32
  }
  func.func @transform_1(%arg0: i32) -> (i32, i32) {
    %c0_i32 = arith.constant 0 : i32
    %c0_i32_0 = arith.constant 0 : i32
    return %arg0, %c0_i32 : i32, i32
  }
}

</mosaic_0001>

<sc_bundles>
// kernel: kernel.5.cloned.1.call-start
scs
__scs_entry_jumppad:
0x0: {  	(pc) =	sbr.rel $0x88, $3  }
0x1: {  	(tag) =	ssettag $0x0;
	lr =	simm.s32 $0x1  }
0x2: {  	[smem:$0x3F9F] =	sst lr;
	_ =	strace $0xD0000000  }
0x3: {  	_ = 	snop  }
0x4: {  	_ = 	snop  }
0x5: {  	_ = 	snop  }
0x6: {  	_ = 	snop  }
0x7: {  	_ = 	snop  }
__scs_overlays_trampoline_lowered:
0x8: {  	[smem:$0x3FAE] =	sst s0  }
0x9: {  	[smem:$0x3FAF] =	sst s1  }
0xa: {  	[smem:$0x3FB0] =	sst s2  }
0xb: {  	[smem:$0x3FB1] =	sst s3  }
0xc: {  	[smem:$0x3FB2] =	sst s4  }
0xd: {  	[smem:$0x3FB3] =	sst s5  }
0xe: {  	[smem:$0x3FB4] =	sst s6  }
0xf: {  	[smem:$0x3FB5] =	sst s7  }
0x10: {  	[smem:$0x3FB6] =	sst s8  }
0x11: {  	[smem:$0x3FB7] =	sst s9;
	s0 =	simm.s32 @!p0 $0x0  }
0x12: {  	s1 =	sld [smem:$0x3F9D];
	s0 =	simm.s32 @p0 $0x1  }
0x13: {  	[smem:$0x3FB8] =	sst s0;
	s0 =	simm.s32 @!p1 $0x0  }
0x14: {  	s2 =	sld [smem:$0x3F9C];
	s0 =	simm.s32 @p1 $0x1  }
0x15: {  	[smem:$0x3FB9] =	sst s0;
	s0 =	simm.s32 @!p2 $0x0  }
0x16: {  	s3 =	sld [smem:$0x3FDB];
	s0 =	simm.s32 @p2 $0x1  }
0x17: {  	s4 =	simm.s32 $0x1BF5;
	[smem:$0x3FBB] =	sst s0  }
0x18: {  	s0 =	sld [smem:$0x3F9E];
	_ =	swait.ge [sflag:s4], $0x0  }
0x19: {  	s7 =	sld [smem:$0x3F9F]  }
0x1a: {  	s8 =	sadd.s32 $0xFFFFE003, lr  }
0x1b: {  	s9 =	sadd.s32 $0xFFFFFEF7, lr;
	s5 =	simm.s32 $0xFFFFFFFF;
	p2 =	slt.u32 s8, $0xFFFFF086  }
0x1c: {  	p1 =	slt.u32 s9, $0xF7A;
	s5 =	simm.s32 @!p2 $0x0  }
0x1d: {  	s5 =	simm.s32 @p1 $0x1;
	p0 =	seq.s32 s7, s2  }
0x1e: {  	s7 =	smul.u32 @!p0 $0xF7A, s2;
	p2 =	seq.s32 @!p0 s5, $0x0  }
0x1f: {  	s9 =	smul.u32 $0xF7A, s1;
	s8 =	simm.s32 @!p0 $0x1BF5;
	p2 =	por !p2, p0  }
0x20: {  	[sflag:s8] =	ssyncset.s32 @!p0 $0xFFFFF086;
	s6 =	sadd.s32 @!p0 s3, s7;
	s7 =	simm.s32 @!p0 $0x108  }
0x21: {  	s3 =	sadd.s32 s3, s9;
	s6 =	sadd.s32 @!p0 $0x88, s6;
	s7 =	simm.s32 @p2 $0x1082  }
0x22: {  	[simem:s7], [sflag:s8] =	dma.local @!p0 [hbm:s6], $0xF7A  }
0x23: {  	s9 =	sor.u32 $0xD0000000, s2;
	s6 =	simm.s32 $0x108;
	_ =	swait.ge @!p0 [sflag:s8], $0x0  }
0x24: {  	s3 =	sadd.s32 $0x88, s3;
	s6 =	simm.s32 @!p1 $0x1082;
	[sflag:s4] =	ssyncset.s32 $0xFFFFF086  }
0x25: {  	[simem:s6], [sflag:s4] =	dma.local [hbm:s3], $0xF7A  }
0x26: {  	[smem:$0x3F9F] =	sst s1;
	(tag) =	ssettag s2;
	_ =	strace s9  }
0x27: {  	s1 =	sld [smem:$0x3FAF]  }
0x28: {  	s2 =	sld [smem:$0x3FB0]  }
0x29: {  	s4 =	sld [smem:$0x3FB2]  }
0x2a: {  	p0 =	seq.s32 s5, $0x0;
	s5 =	sld [smem:$0x3FB3]  }
0x2b: {  	s6 =	sld [smem:$0x3FB4]  }
0x2c: {  	s7 =	sld [smem:$0x3FB5]  }
0x2d: {  	s3 =	simm.s32 $0x108;
	s8 =	sld [smem:$0x3FB6]  }
0x2e: {  	s3 =	simm.s32 @!p0 $0x1082;
	s9 =	sld [smem:$0x3FB7]  }
0x2f: {  	lr =	sadd.s32 s0, s3;
	s0 =	sld [smem:$0x3FAE]  }
0x30: {  	s3 =	sld [smem:$0x3FB1]  }
0x31: {  	[smem:$0x3FBA] =	sst s10  }
0x32: {  	s10 =	sld [smem:$0x3FB8];
	_ =	sdelay $0x3  }
0x33: {  	p0 =	seq.s32 s10, $0x1;
	s10 =	sld [smem:$0x3FBA];
	_ =	sdelay $0x3  }
0x34: {  	[smem:$0x3FBA] =	sst s10  }
0x35: {  	s10 =	sld [smem:$0x3FB9];
	_ =	sdelay $0x3  }
0x36: {  	p1 =	seq.s32 s10, $0x1;
	s10 =	sld [smem:$0x3FBA];
	_ =	sdelay $0x3  }
0x37: {  	[smem:$0x3FBA] =	sst s10  }
0x38: {  	s10 =	sld [smem:$0x3FBB]  }
0x39: {  	_ = 	snop;
	(pc) =	sbr.ind lr, $3  }
0x3a: {  	_ = 	snop  }
0x3b: {  	_ = 	snop  }
0x3c: {  	p2 =	seq.s32 s10, $0x1;
	s10 =	sld [smem:$0x3FBA]  }
0x3d: {  	_ =	shalt  }
0x3e: {  	_ =	shalt  }
0x3f: {  	_ =	shalt  }
0x40: {  	_ =	shalt  }
0x41: {  	_ =	shalt  }
0x42: {  	_ =	shalt  }
0x43: {  	_ =	shalt  }
0x44: {  	_ =	shalt  }
0x45: {  	_ =	shalt  }
0x46: {  	_ =	shalt  }
0x47: {  	_ =	shalt  }
0x48: {  	_ =	shalt  }
0x49: {  	_ =	shalt  }
0x4a: {  	_ =	shalt  }
0x4b: {  	_ =	shalt  }
0x4c: {  	_ =	shalt  }
0x4d: {  	_ =	shalt  }
0x4e: {  	_ =	shalt  }
0x4f: {  	_ =	shalt  }
0x50: {  	_ =	shalt  }
0x51: {  	_ =	shalt  }
0x52: {  	_ =	shalt  }
0x53: {  	_ =	shalt  }
0x54: {  	_ =	shalt  }
0x55: {  	_ =	shalt  }
0x56: {  	_ =	shalt  }
0x57: {  	_ =	shalt  }
0x58: {  	_ =	shalt  }
0x59: {  	_ =	shalt  }
0x5a: {  	_ =	shalt  }
0x5b: {  	_ =	shalt  }
0x5c: {  	_ =	shalt  }
0x5d: {  	_ =	shalt  }
0x5e: {  	_ =	shalt  }
0x5f: {  	_ =	shalt  }
0x60: {  	_ =	shalt  }
0x61: {  	_ =	shalt  }
0x62: {  	_ =	shalt  }
0x63: {  	_ =	shalt  }
0x64: {  	_ =	shalt  }
0x65: {  	_ =	shalt  }
0x66: {  	_ =	shalt  }
0x67: {  	_ =	shalt  }
0x68: {  	_ =	shalt  }
0x69: {  	_ =	shalt  }
0x6a: {  	_ =	shalt  }
0x6b: {  	_ =	shalt  }
0x6c: {  	_ =	shalt  }
0x6d: {  	_ =	shalt  }
0x6e: {  	_ =	shalt  }
0x6f: {  	_ =	shalt  }
0x70: {  	_ =	shalt  }
0x71: {  	_ =	shalt  }
0x72: {  	_ =	shalt  }
0x73: {  	_ =	shalt  }
0x74: {  	_ =	shalt  }
0x75: {  	_ =	shalt  }
0x76: {  	_ =	shalt  }
0x77: {  	_ =	shalt  }
0x78: {  	_ =	shalt  }
0x79: {  	_ =	shalt  }
0x7a: {  	_ =	shalt  }
0x7b: {  	_ =	shalt  }
0x7c: {  	_ =	shalt  }
0x7d: {  	_ =	shalt  }
0x7e: {  	_ =	shalt  }
0x7f: {  	_ =	shalt  }
0x80: {  	_ =	shalt  }
0x81: {  	_ =	shalt  }
0x82: {  	_ =	shalt  }
0x83: {  	_ =	shalt  }
0x84: {  	_ =	shalt  }
0x85: {  	_ =	shalt  }
0x86: {  	_ =	shalt  }
0x87: {  	_ =	shalt  }
.Lfunc_end0:
.L_simem_size_0:
called_computation.1_lowered:
.L_overlay_start_0:
0x88: {  	s2 =	sld [smem:$0x3FD9]  }
0x89: {  	s3 =	sld [smem:$0x3FFE];
	_ =	sdelay $0x1  }
0x8a: {  	s1 =	srdreg.scid  }
0x8b: {  	s0 =	sand.u32 $0x1, s1  }
0x8c: {  	s17 =	sshll.u32 s0, $0xA;
	s2 =	sadd.s32 s3, s2  }
0x8d: {  	s2 =	sadd.s32 s2, s17  }
0x8e: {  	[smem:$0x3FC6] =	sst s2  }
0x8f: {  	_ = 	snop  }
0x90: {  	s2 =	sld [smem:$0x3FD0];
	(tm) =	ssettm $0x1  }
0x91: {  	s18 =	sld [smem:$0x3FFB];
	_ =	sdelay $0x3  }
0x92: {  	_ =	strace s18  }
0x93: {  	s3 =	sld [smem:$0x3FFC];
	_ =	sdelay $0x3  }
0x94: {  	_ =	strace s3  }
0x95: {  	s3 =	sld [smem:$0x3FFD];
	_ =	sdelay $0x3  }
0x96: {  	_ =	strace s3  }
0x97: {  	_ =	strace $0x8FFFFFFF  }
0x98: {  	s19 =	sld [smem:$0x3FDB];
	_ =	sdelay $0x1  }
0x99: {  	s4 =	simm.s32 $_scs_section_size  }
0x9a: {  	s5 =	simm.s32 $_size__tile_overlayer_lowered;
	s6 =	simm.s32 $_tile_overlayer_lowered  }
0x9b: {  	s22 =	simm.s32 $0x1BFF;
	s21 =	sshll.u32 s6, $0x1;
	s3 =	sadd.s32 s4, s19  }
0x9c: {  	s7 =	simm.s32 $0x0;
	s20 =	sshll.u32 s5, $0x1;
	s5 =	sadd.s32 s21, s3  }
0x9d: {  	[timem:s7], [sflag:s22] =	dma.local [hbm:s5], s20  }
0x9e: {  	_ =	swait.ge [sflag:s22], s20  }
0x9f: {  	s4 =	ssub.s32 $0x0, s20;
	[sflag:s22] =	ssyncset.done $0x0  }
0xa0: {  	[sflag:s22] =	ssyncadd.s32 s4;
	_ =	sdelay $0x1  }
0xa1: {  	s23 =	simm.s32 $0x1B8B  }
0xa2: {  	_ =	swait.ge [sflag:s23], $0x1  }
0xa3: {  	[sflag:s23] =	ssyncset.done $0x0  }
0xa4: {  	s25 =	simm.s32 $0x1B8E;
	s24 =	sld [smem:$0x3FFE];
	[sflag:s23] =	ssyncadd.s32 $0xFFFFFFFF  }
0xa5: {  	s26 =	simm.s32 $execute0_lowered;
	[smem:$0x3FD2] =	sst s25  }
0xa6: {  	s5 =	sshll.u32 s26, $0x1;
	_ =	strace $0x80000046;
	[dreg:$0x1] =	wrdreg $0xFFFFFFFF  }
0xa7: {  	s28 =	simm.s32 $_size_execute0_lowered;
	s3 =	sadd.s32 s3, s5;
	[dreg:$0x0] =	wrdreg $0x0  }
0xa8: {  	s5 =	sshll.u32 s28, $0x1;
	[dreg:$0x2] =	wrdreg s3  }
0xa9: {  	[dreg:$0x3] =	wrdreg s5  }
0xaa: {  	[dreg:$0x4] =	wrdreg $0xC0  }
0xab: {  	_ =	task [dreg:s7], $0x5FFFF  }
0xac: {  	[dreg:$0x1] =	wrdreg $0xFFFFFFFF  }
0xad: {  	[dreg:$0x0] =	wrdreg $0x60  }
0xae: {  	[dreg:$0x2] =	wrdreg s24  }
0xaf: {  	[dreg:$0x3] =	wrdreg s2  }
0xb0: {  	[dreg:$0x4] =	wrdreg $0x9  }
0xb1: {  	_ =	task.clear_ibuf [dreg:s7], $0x5FFFF;
	_ =	strace $0x90000046  }
0xb2: {  	s29 =	simm.s32 $0x9;
	_ =	strace $0x80000048  }
0xb3: {  	_ =	swait.ge [sflag:s29], $0x1  }
0xb4: {  	[sflag:s29] =	ssyncadd.s32 $0xFFFFFFFF  }
0xb5: {  	_ =	strace $0x90000048  }
0xb6: {  	_ =	sfence  }
0xb7: {  	s30 =	sld [smem:$0x0];
	_ =	sdelay $0x2  }
0xb8: {  	s31 =	sshll.u32 s1, $0xD;
	s1 =	sshrl.u32 s1, $0x2  }
0xb9: {  	s3 =	sand.u32 $0x4000, s31;
	s1 =	sadd.s32 s1, s30  }
0xba: {  	s0 =	sor.u32 s3, s0;
	s1 =	sshll.u32 s1, $0x11  }
0xbb: {  	s0 =	sor.u32 s1, s0  }
0xbc: {  	s0 =	sadd.s32 $0x8F2B, s0  }
0xbd: {  	[sflag:s0] =	ssyncadd.remote.s32 $0x1  }
0xbe: {  	_ =	sfence.sel $0xFFFF  }
0xbf: {  	[dreg:$0x0] =	wrdreg $0xFFFFFFFF;
	(pc) =	sbr.abs _section_cstart, $3  }
0xc0: {  	[dreg:$0x1] =	wrdreg $0xFFFFFFFF  }
0xc1: {  	_ =	task.clear_ibuf [dreg:s7], $0x2FFFF;
	_ =	strace $0x9FFFFFFF  }
0xc2: {  	(tm) =	ssettm $0x7FFFFFFF  }
0xc3: {  	_ =	shalt  }
tec
execute0_lowered:
.L_overlay_start_1:
0x0: {  	(tag) =	ssettag $0x1  }
0x1: {  	s0 =	rddreg [dreg:$0x0];
	s1 =	srdreg.scid  }
0x2: {  	s2 =	stileid.u32;
	s7 =	rddreg [dreg:$0x1];
	s9 =	simm.s32 $0x9  }
0x3: {  	s11 =	simm.s32 $0x50;
	s14 =	simm.s32 $0xA0;
	s15 =	simm.s32 $0xE600  }
0x4: {  	s16 =	simm.s32 $0xF0;
	s17 =	simm.s32 $0x10E00;
	s18 =	simm.s32 $0x140  }
0x5: {  	s19 =	simm.s32 $0x13600;
	s20 =	simm.s32 $0x6;
	s21 =	simm.s32 $0x7  }
0x6: {  	s22 =	simm.s32 $0x8;
	s1 =	sand.u32 $0x1, s1;
	s3 =	sshll.u32 s2, $0x1  }
0x7: {  	s23 =	simm.s32 $0x0;
	s2 =	simm.s32 $0x0;
	s3 =	sor.u32 s1, s3  }
0x8: {  	s4 =	sadd.s32 $0x1000, s0;
	s1 =	ssub.s32 $0x2, s1;
	s3 =	smul.u32 $0x6400, s3  }
0x9: {  	s5 =	sadd.s32 $0x800, s0;
	[smem:$0x7FF] =	sst s2;
	s6 =	sshrl.u32 s1, $0x1  }
0xa: {  	_ =	strace $0x80000047;
	s1 =	ssub.s32 s1, s6;
	s8 =	sshrl.u32 s3, $0x3  }
0xb: {  	s6 =	sadd.s32 $0xF43400, s0;
	s7 =	sadd.s32 s7, s8;
	s8 =	smax.u32 s1, $0x1  }
.LBB2_1:
0xc: {  	[tilespmem:s2], [sflag:$0x9] =	stream.linear.gather [hbm4b:s7+s2], $0x6400, $0x38;
	[tilespmem:$0x1D600] =	vst v63  }
0xd: {  	_ =	swait.ge [sflag:s9], $0x6400  }
0xe: {  	[sflag:s9] =	ssyncset.done $0x0  }
0xf: {  	s0 =	simm.s32 $0x6400;
	[sflag:s9] =	ssyncadd.s32 $0xFFFF9C00  }
0x10: {  	[tilespmem:s0], [sflag:$0x9] =	stream.linear.gather [hbm4b:s5+s2], $0x3200, $0x38;
	[tilespmem:$0x1D600] =	vst v63  }
0x11: {  	_ =	swait.ge [sflag:s9], $0x3200  }
0x12: {  	[sflag:s9] =	ssyncset.done $0x0  }
0x13: {  	s30 =	simm.s32 $0x9600;
	[sflag:s9] =	ssyncadd.s32 $0xFFFFCE00  }
0x14: {  	[tilespmem:s30], [sflag:$0x1] =	stream.indirect.gather [hbm4b:s4+s11], $0x80, s2, s11, $0xb8;
	[tilespmem:$0x1D600] =	vst v63  }
0x15: {  	s31 =	simm.s32 $0xBE00  }
0x16: {  	[tilespmem:s31], [sflag:$0x2] =	stream.indirect.gather [hbm4b:s4+s11], $0x80, s11, s11, $0xb8;
	[tilespmem:$0x1D600] =	vst v63  }
0x17: {  	_ = 	snop  }
0x18: {  	[tilespmem:s15], [sflag:$0x3] =	stream.indirect.gather [hbm4b:s4+s11], $0x80, s14, s11, $0xb8;
	[tilespmem:$0x1D600] =	vst v63  }
0x19: {  	_ = 	snop  }
0x1a: {  	[tilespmem:s17], [sflag:$0x4] =	stream.indirect.gather [hbm4b:s4+s11], $0x80, s16, s11, $0xb8;
	[tilespmem:$0x1D600] =	vst v63  }
0x1b: {  	s24 =	simm.s32 $0x0;
	s25 =	simm.s32 $0x0  }
0x1c: {  	[tilespmem:s19], [sflag:$0x5] =	stream.indirect.gather [hbm4b:s4+s11], $0x80, s18, s11, $0xb8;
	[tilespmem:$0x1D600] =	vst v63  }
.LBB2_2:
0x1d: {  	s1 =	smulhi.u32 $0xAAAAAAAB, s25  }
0x1e: {  	s0 =	smul.u32 $0xAAAB, s25  }
0x1f: {  	s10 =	smulhi.u32 $0xCCCCCCCD, s25  }
0x20: {  	s12 =	smul.u32 $0xCCCD, s25  }
0x21: {  	s26 =	smul.u32 $0x50, s25;
	s0 =	sshrl.u32 s0, $0x11  }
0x22: {  	s0 =	smul.u32 $0x3, s0  }
0x23: {  	p0 =	slt.u32 s25, $0x3;
	s10 =	sshrl.u32 s10, $0x2;
	s12 =	sshrl.u32 s12, $0x12  }
0x24: {  	s13 =	sand.u32 $0xFFF0, s26;
	s10 =	smul.u32 $0xFFFCE000, s10;
	s0 =	ssub.s32 s25, s0  }
0x25: {  	s12 =	smul.u32 $0x5, s12;
	s13 =	sshrl.u32 s13, $0x3;
	s28 =	sand.u32 $0xFFFF, s0  }
0x26: {  	s13 =	smul.u32 $0x147B, s13;
	s10 =	sshra.s32 s10, $0x2;
	s29 =	sadd.s32 @!p0 $0x6, s28  }
0x27: {  	s12 =	ssub.s32 s25, s12;
	s10 =	sadd.s32 $0x9600, s10;
	_ =	swait.ge @!p0 [sflag:s29], $0x2800  }
0x28: {  	s0 =	sand.u32 $0xFFFF, s12;
	s13 =	sshrl.u32 s13, $0x11;
	v0 =	vmov s10;
	[sflag:s29] =	ssyncset.done @!p0 $0x0  }
0x29: {  	s12 =	smul.u32 $0xC8, s13;
	[sflag:s29] =	ssyncadd.s32 @!p0 $0xFFFFD800;
	s29 =	sadd.s32 $0x1, s0  }
0x2a: {  	s31 =	sshra.s32 s24, $0x2;
	_ =	swait.ge [sflag:s29], $0x2800  }
0x2b: {  	s1 =	sshrl.u32 s1, $0x1;
	s10 =	ssub.s32 s26, s12;
	[sflag:s29] =	ssyncset.done $0x0  }
0x2c: {  	s1 =	smul.u32 $0xFFFE2000, s1;
	s10 =	sshll.u32 s10, $0x6;
	[sflag:s29] =	ssyncadd.s32 $0xFFFFD800  }
0x2d: {  	s10 =	sand.u32 $0xFFC0, s10;
	v2 =	vld.idx.msk [tilespmem:v0+s31+$0x0 ss:$0x1], $0xffff  }
0x2e: {  	s1 =	sshra.s32 s1, $0x2;
	v3 =	vld [tilespmem:s10+$0x6400]  }
0x2f: {  	s1 =	sadd.s32 $0x15E00, s1  }
0x30: {  	v1 =	vmov s1;
	_ =	sdelay $0x2  }
0x31: {  	v2 =	vadd.f32 v2, v3;
	_ =	sdelay $0x1  }
0x32: {  	[tilespmem:v1+s31+$0x0 ss:$0x1] =	vst.idx.msk $0xffff, v2  }
0x33: {  	v2 =	vld.idx.msk [tilespmem:v0+s31+$0x10 ss:$0x1], $0xffff  }
0x34: {  	v3 =	vld [tilespmem:s10+$0x6410];
	_ =	sdelay $0x4  }
0x35: {  	v2 =	vadd.f32 v2, v3;
	_ =	sdelay $0x1  }
0x36: {  	[tilespmem:v1+s31+$0x10 ss:$0x1] =	vst.idx.msk $0xffff, v2  }
0x37: {  	v2 =	vld.idx.msk [tilespmem:v0+s31+$0x20 ss:$0x1], $0xffff  }
0x38: {  	v3 =	vld [tilespmem:s10+$0x6420];
	_ =	sdelay $0x4  }
0x39: {  	v2 =	vadd.f32 v2, v3;
	_ =	sdelay $0x1  }
0x3a: {  	[tilespmem:v1+s31+$0x20 ss:$0x1] =	vst.idx.msk $0xffff, v2  }
0x3b: {  	v2 =	vld.idx.msk [tilespmem:v0+s31+$0x30 ss:$0x1], $0xffff  }
0x3c: {  	v3 =	vld [tilespmem:s10+$0x6430];
	_ =	sdelay $0x4  }
0x3d: {  	v2 =	vadd.f32 v2, v3  }
0x3e: {  	s1 =	sadd.s32 $0x40, s10  }
0x3f: {  	p0 =	sgt.s32 s1, $0x31FF;
	[tilespmem:v1+s31+$0x30 ss:$0x1] =	vst.idx.msk $0xffff, v2  }
0x40: {  	s1 =	simm.s32 @p0 $0x0;
	v2 =	vld.idx.msk [tilespmem:v0+s31+$0x80 ss:$0x1], $0xffff  }
0x41: {  	v3 =	vld [tilespmem:s1+$0x6400];
	_ =	sdelay $0x4  }
0x42: {  	v2 =	vadd.f32 v2, v3;
	_ =	sdelay $0x1  }
0x43: {  	[tilespmem:v1+s31+$0x80 ss:$0x1] =	vst.idx.msk $0xffff, v2  }
0x44: {  	v2 =	vld.idx.msk [tilespmem:v0+s31+$0x90 ss:$0x1], $0xffff  }
0x45: {  	v3 =	vld [tilespmem:s1+$0x6410];
	_ =	sdelay $0x4  }
0x46: {  	v2 =	vadd.f32 v2, v3;
	_ =	sdelay $0x1  }
0x47: {  	[tilespmem:v1+s31+$0x90 ss:$0x1] =	vst.idx.msk $0xffff, v2  }
0x48: {  	v2 =	vld.idx.msk [tilespmem:v0+s31+$0xA0 ss:$0x1], $0xffff  }
0x49: {  	v3 =	vld [tilespmem:s1+$0x6420];
	_ =	sdelay $0x4  }
0x4a: {  	v2 =	vadd.f32 v2, v3;
	_ =	sdelay $0x1  }
0x4b: {  	[tilespmem:v1+s31+$0xA0 ss:$0x1] =	vst.idx.msk $0xffff, v2  }
0x4c: {  	v2 =	vld.idx.msk [tilespmem:v0+s31+$0xB0 ss:$0x1], $0xffff  }
0x4d: {  	v3 =	vld [tilespmem:s1+$0x6430];
	_ =	sdelay $0x4  }
0x4e: {  	v2 =	vadd.f32 v2, v3  }
0x4f: {  	s1 =	sadd.s32 $0x40, s1  }
0x50: {  	p0 =	sgt.s32 s1, $0x31FF;
	[tilespmem:v1+s31+$0xB0 ss:$0x1] =	vst.idx.msk $0xffff, v2  }
0x51: {  	s1 =	simm.s32 @p0 $0x0;
	v2 =	vld.idx.msk [tilespmem:v0+s31+$0x100 ss:$0x1], $0xffff  }
0x52: {  	v3 =	vld [tilespmem:s1+$0x6400];
	_ =	sdelay $0x4  }
0x53: {  	v2 =	vadd.f32 v2, v3;
	_ =	sdelay $0x1  }
0x54: {  	[tilespmem:v1+s31+$0x100 ss:$0x1] =	vst.idx.msk $0xffff, v2  }
0x55: {  	v2 =	vld.idx.msk [tilespmem:v0+s31+$0x110 ss:$0x1], $0xffff  }
0x56: {  	v3 =	vld [tilespmem:s1+$0x6410];
	_ =	sdelay $0x4  }
0x57: {  	v2 =	vadd.f32 v2, v3;
	_ =	sdelay $0x1  }
0x58: {  	[tilespmem:v1+s31+$0x110 ss:$0x1] =	vst.idx.msk $0xffff, v2  }
0x59: {  	v2 =	vld.idx.msk [tilespmem:v0+s31+$0x120 ss:$0x1], $0xffff  }
0x5a: {  	v3 =	vld [tilespmem:s1+$0x6420];
	_ =	sdelay $0x4  }
0x5b: {  	v2 =	vadd.f32 v2, v3;
	_ =	sdelay $0x1  }
0x5c: {  	[tilespmem:v1+s31+$0x120 ss:$0x1] =	vst.idx.msk $0xffff, v2  }
0x5d: {  	v2 =	vld.idx.msk [tilespmem:v0+s31+$0x130 ss:$0x1], $0xffff  }
0x5e: {  	v3 =	vld [tilespmem:s1+$0x6430];
	_ =	sdelay $0x4  }
0x5f: {  	v2 =	vadd.f32 v2, v3  }
0x60: {  	s1 =	sadd.s32 $0x40, s1  }
0x61: {  	p0 =	sgt.s32 s1, $0x31FF;
	[tilespmem:v1+s31+$0x130 ss:$0x1] =	vst.idx.msk $0xffff, v2  }
0x62: {  	s1 =	simm.s32 @p0 $0x0;
	v2 =	vld.idx.msk [tilespmem:v0+s31+$0x180 ss:$0x1], $0xffff  }
0x63: {  	v3 =	vld [tilespmem:s1+$0x6400];
	_ =	sdelay $0x4  }
0x64: {  	v2 =	vadd.f32 v2, v3;
	_ =	sdelay $0x1  }
0x65: {  	[tilespmem:v1+s31+$0x180 ss:$0x1] =	vst.idx.msk $0xffff, v2  }
0x66: {  	v2 =	vld.idx.msk [tilespmem:v0+s31+$0x190 ss:$0x1], $0xffff  }
0x67: {  	v3 =	vld [tilespmem:s1+$0x6410];
	_ =	sdelay $0x4  }
0x68: {  	v2 =	vadd.f32 v2, v3;
	_ =	sdelay $0x1  }
0x69: {  	[tilespmem:v1+s31+$0x190 ss:$0x1] =	vst.idx.msk $0xffff, v2  }
0x6a: {  	v2 =	vld.idx.msk [tilespmem:v0+s31+$0x1A0 ss:$0x1], $0xffff  }
0x6b: {  	v3 =	vld [tilespmem:s1+$0x6420];
	_ =	sdelay $0x4  }
0x6c: {  	v2 =	vadd.f32 v2, v3;
	_ =	sdelay $0x1  }
0x6d: {  	[tilespmem:v1+s31+$0x1A0 ss:$0x1] =	vst.idx.msk $0xffff, v2  }
0x6e: {  	v2 =	vld.idx.msk [tilespmem:v0+s31+$0x1B0 ss:$0x1], $0xffff  }
0x6f: {  	v3 =	vld [tilespmem:s1+$0x6430];
	_ =	sdelay $0x4  }
0x70: {  	v2 =	vadd.f32 v2, v3  }
0x71: {  	s1 =	sadd.s32 $0x40, s1  }
0x72: {  	p0 =	sgt.s32 s1, $0x31FF;
	[tilespmem:v1+s31+$0x1B0 ss:$0x1] =	vst.idx.msk $0xffff, v2  }
0x73: {  	s1 =	simm.s32 @p0 $0x0;
	v2 =	vld.idx.msk [tilespmem:v0+s31+$0x200 ss:$0x1], $0xffff  }
0x74: {  	v3 =	vld [tilespmem:s1+$0x6400];
	_ =	sdelay $0x4  }
0x75: {  	v2 =	vadd.f32 v2, v3;
	_ =	sdelay $0x1  }
0x76: {  	[tilespmem:v1+s31+$0x200 ss:$0x1] =	vst.idx.msk $0xffff, v2  }
0x77: {  	v2 =	vld.idx.msk [tilespmem:v0+s31+$0x210 ss:$0x1], $0xffff  }
0x78: {  	v3 =	vld [tilespmem:s1+$0x6410];
	_ =	sdelay $0x4  }
0x79: {  	v2 =	vadd.f32 v2, v3;
	_ =	sdelay $0x1  }
0x7a: {  	[tilespmem:v1+s31+$0x210 ss:$0x1] =	vst.idx.msk $0xffff, v2  }
0x7b: {  	v2 =	vld.idx.msk [tilespmem:v0+s31+$0x220 ss:$0x1], $0xffff  }
0x7c: {  	v3 =	vld [tilespmem:s1+$0x6420];
	_ =	sdelay $0x4  }
0x7d: {  	v2 =	vadd.f32 v2, v3;
	_ =	sdelay $0x1  }
0x7e: {  	[tilespmem:v1+s31+$0x220 ss:$0x1] =	vst.idx.msk $0xffff, v2  }
0x7f: {  	v2 =	vld.idx.msk [tilespmem:v0+s31+$0x230 ss:$0x1], $0xffff  }
0x80: {  	v3 =	vld [tilespmem:s1+$0x6430];
	_ =	sdelay $0x4  }
0x81: {  	v2 =	vadd.f32 v2, v3  }
0x82: {  	s1 =	sadd.s32 $0x40, s1  }
0x83: {  	p0 =	sgt.s32 s1, $0x31FF;
	[tilespmem:v1+s31+$0x230 ss:$0x1] =	vst.idx.msk $0xffff, v2  }
0x84: {  	s1 =	simm.s32 @p0 $0x0;
	v2 =	vld.idx.msk [tilespmem:v0+s31+$0x280 ss:$0x1], $0xffff  }
0x85: {  	v3 =	vld [tilespmem:s1+$0x6400];
	_ =	sdelay $0x4  }
0x86: {  	v2 =	vadd.f32 v2, v3;
	_ =	sdelay $0x1  }
0x87: {  	[tilespmem:v1+s31+$0x280 ss:$0x1] =	vst.idx.msk $0xffff, v2  }
0x88: {  	v2 =	vld.idx.msk [tilespmem:v0+s31+$0x290 ss:$0x1], $0xffff  }
0x89: {  	v3 =	vld [tilespmem:s1+$0x6410];
	_ =	sdelay $0x4  }
0x8a: {  	v2 =	vadd.f32 v2, v3;
	_ =	sdelay $0x1  }
0x8b: {  	[tilespmem:v1+s31+$0x290 ss:$0x1] =	vst.idx.msk $0xffff, v2  }
0x8c: {  	v2 =	vld.idx.msk [tilespmem:v0+s31+$0x2A0 ss:$0x1], $0xffff  }
0x8d: {  	v3 =	vld [tilespmem:s1+$0x6420];
	_ =	sdelay $0x4  }
0x8e: {  	v2 =	vadd.f32 v2, v3;
	_ =	sdelay $0x1  }
0x8f: {  	[tilespmem:v1+s31+$0x2A0 ss:$0x1] =	vst.idx.msk $0xffff, v2  }
0x90: {  	v2 =	vld.idx.msk [tilespmem:v0+s31+$0x2B0 ss:$0x1], $0xffff  }
0x91: {  	v3 =	vld [tilespmem:s1+$0x6430];
	_ =	sdelay $0x4  }
0x92: {  	v2 =	vadd.f32 v2, v3  }
0x93: {  	s1 =	sadd.s32 $0x40, s1  }
0x94: {  	p0 =	sgt.s32 s1, $0x31FF;
	[tilespmem:v1+s31+$0x2B0 ss:$0x1] =	vst.idx.msk $0xffff, v2  }
0x95: {  	s1 =	simm.s32 @p0 $0x0;
	v2 =	vld.idx.msk [tilespmem:v0+s31+$0x300 ss:$0x1], $0xffff  }
0x96: {  	v3 =	vld [tilespmem:s1+$0x6400];
	_ =	sdelay $0x4  }
0x97: {  	v2 =	vadd.f32 v2, v3;
	_ =	sdelay $0x1  }
0x98: {  	[tilespmem:v1+s31+$0x300 ss:$0x1] =	vst.idx.msk $0xffff, v2  }
0x99: {  	v2 =	vld.idx.msk [tilespmem:v0+s31+$0x310 ss:$0x1], $0xffff  }
0x9a: {  	v3 =	vld [tilespmem:s1+$0x6410];
	_ =	sdelay $0x4  }
0x9b: {  	v2 =	vadd.f32 v2, v3;
	_ =	sdelay $0x1  }
0x9c: {  	[tilespmem:v1+s31+$0x310 ss:$0x1] =	vst.idx.msk $0xffff, v2  }
0x9d: {  	v2 =	vld.idx.msk [tilespmem:v0+s31+$0x320 ss:$0x1], $0xffff  }
0x9e: {  	v3 =	vld [tilespmem:s1+$0x6420];
	_ =	sdelay $0x4  }
0x9f: {  	v2 =	vadd.f32 v2, v3;
	_ =	sdelay $0x1  }
0xa0: {  	[tilespmem:v1+s31+$0x320 ss:$0x1] =	vst.idx.msk $0xffff, v2  }
0xa1: {  	v2 =	vld.idx.msk [tilespmem:v0+s31+$0x330 ss:$0x1], $0xffff  }
0xa2: {  	v3 =	vld [tilespmem:s1+$0x6430];
	_ =	sdelay $0x4  }
0xa3: {  	v2 =	vadd.f32 v2, v3  }
0xa4: {  	s1 =	sadd.s32 $0x40, s1  }
0xa5: {  	p0 =	sgt.s32 s1, $0x31FF;
	[tilespmem:v1+s31+$0x330 ss:$0x1] =	vst.idx.msk $0xffff, v2  }
0xa6: {  	s1 =	simm.s32 @p0 $0x0;
	v2 =	vld.idx.msk [tilespmem:v0+s31+$0x380 ss:$0x1], $0xffff  }
0xa7: {  	v3 =	vld [tilespmem:s1+$0x6400];
	_ =	sdelay $0x4  }
0xa8: {  	v2 =	vadd.f32 v2, v3;
	_ =	sdelay $0x1  }
0xa9: {  	[tilespmem:v1+s31+$0x380 ss:$0x1] =	vst.idx.msk $0xffff, v2  }
0xaa: {  	v2 =	vld.idx.msk [tilespmem:v0+s31+$0x390 ss:$0x1], $0xffff  }
0xab: {  	v3 =	vld [tilespmem:s1+$0x6410];
	_ =	sdelay $0x4  }
0xac: {  	v2 =	vadd.f32 v2, v3;
	_ =	sdelay $0x1  }
0xad: {  	[tilespmem:v1+s31+$0x390 ss:$0x1] =	vst.idx.msk $0xffff, v2  }
0xae: {  	v2 =	vld.idx.msk [tilespmem:v0+s31+$0x3A0 ss:$0x1], $0xffff  }
0xaf: {  	v3 =	vld [tilespmem:s1+$0x6420];
	_ =	sdelay $0x4  }
0xb0: {  	v2 =	vadd.f32 v2, v3;
	_ =	sdelay $0x1  }
0xb1: {  	[tilespmem:v1+s31+$0x3A0 ss:$0x1] =	vst.idx.msk $0xffff, v2  }
0xb2: {  	v2 =	vld.idx.msk [tilespmem:v0+s31+$0x3B0 ss:$0x1], $0xffff  }
0xb3: {  	v3 =	vld [tilespmem:s1+$0x6430]  }
0xb4: {  	s0 =	smul.u32 $0xA000, s0;
	_ =	sdelay $0x1  }
0xb5: {  	s13 =	smul.u32 $0xA000, s28;
	s0 =	sshra.s32 s0, $0x2  }
0xb6: {  	s30 =	sadd.s32 $0x9600, s0;
	s12 =	sadd.s32 $0x40, s1  }
0xb7: {  	s0 =	simm.s32 $0x8;
	s10 =	sshra.s32 s13, $0x2;
	p0 =	sgt.s32 s12, $0x31FF;
	v2 =	vadd.f32 v2, v3  }
0xb8: {  	s12 =	simm.s32 @p0 $0x0;
	s1 =	sadd.s32 $0x15E00, s10;
	s10 =	sadd.s32 $0x1000, s24  }
.LBB2_3:
0xb9: {  	s0 =	sadd.s32 $0x8, s0;
	[tilespmem:v1+s31+$0x3B0 ss:$0x1] =	vst.idx.msk $0xffff, v2;
	s31 =	sshra.s32 s10, $0x2  }
0xba: {  	p0 =	slt.u32 s0, $0x48;
	v2 =	vld.idx.msk [tilespmem:v0+s31+$0x0 ss:$0x1], $0xffff  }
0xbb: {  	v3 =	vld [tilespmem:s12+$0x6400];
	_ =	sdelay $0x4  }
0xbc: {  	v2 =	vadd.f32 v2, v3;
	_ =	sdelay $0x1  }
0xbd: {  	[tilespmem:v1+s31+$0x0 ss:$0x1] =	vst.idx.msk $0xffff, v2  }
0xbe: {  	v2 =	vld.idx.msk [tilespmem:v0+s31+$0x10 ss:$0x1], $0xffff  }
0xbf: {  	v3 =	vld [tilespmem:s12+$0x6410];
	_ =	sdelay $0x4  }
0xc0: {  	v2 =	vadd.f32 v2, v3;
	_ =	sdelay $0x1  }
0xc1: {  	[tilespmem:v1+s31+$0x10 ss:$0x1] =	vst.idx.msk $0xffff, v2  }
0xc2: {  	v2 =	vld.idx.msk [tilespmem:v0+s31+$0x20 ss:$0x1], $0xffff  }
0xc3: {  	v3 =	vld [tilespmem:s12+$0x6420];
	_ =	sdelay $0x4  }
0xc4: {  	v2 =	vadd.f32 v2, v3;
	_ =	sdelay $0x1  }
0xc5: {  	[tilespmem:v1+s31+$0x20 ss:$0x1] =	vst.idx.msk $0xffff, v2  }
0xc6: {  	v2 =	vld.idx.msk [tilespmem:v0+s31+$0x30 ss:$0x1], $0xffff  }
0xc7: {  	v3 =	vld [tilespmem:s12+$0x6430];
	_ =	sdelay $0x4  }
0xc8: {  	v2 =	vadd.f32 v2, v3  }
0xc9: {  	s13 =	sadd.s32 $0x40, s12  }
0xca: {  	p1 =	sgt.s32 s13, $0x31FF;
	[tilespmem:v1+s31+$0x30 ss:$0x1] =	vst.idx.msk $0xffff, v2  }
0xcb: {  	s13 =	simm.s32 @p1 $0x0;
	v2 =	vld.idx.msk [tilespmem:v0+s31+$0x80 ss:$0x1], $0xffff  }
0xcc: {  	s12 =	sadd.s32 $0x40, s13;
	v3 =	vld [tilespmem:s13+$0x6400]  }
0xcd: {  	p1 =	sgt.s32 s12, $0x31FF;
	_ =	sdelay $0x3  }
0xce: {  	v2 =	vadd.f32 v2, v3;
	_ =	sdelay $0x1  }
0xcf: {  	[tilespmem:v1+s31+$0x80 ss:$0x1] =	vst.idx.msk $0xffff, v2  }
0xd0: {  	v2 =	vld.idx.msk [tilespmem:v0+s31+$0x90 ss:$0x1], $0xffff  }
0xd1: {  	v3 =	vld [tilespmem:s13+$0x6410];
	_ =	sdelay $0x4  }
0xd2: {  	v2 =	vadd.f32 v2, v3;
	_ =	sdelay $0x1  }
0xd3: {  	[tilespmem:v1+s31+$0x90 ss:$0x1] =	vst.idx.msk $0xffff, v2  }
0xd4: {  	v2 =	vld.idx.msk [tilespmem:v0+s31+$0xA0 ss:$0x1], $0xffff  }
0xd5: {  	v3 =	vld [tilespmem:s13+$0x6420];
	_ =	sdelay $0x4  }
0xd6: {  	v2 =	vadd.f32 v2, v3;
	_ =	sdelay $0x1  }
0xd7: {  	[tilespmem:v1+s31+$0xA0 ss:$0x1] =	vst.idx.msk $0xffff, v2  }
0xd8: {  	v2 =	vld.idx.msk [tilespmem:v0+s31+$0xB0 ss:$0x1], $0xffff  }
0xd9: {  	v3 =	vld [tilespmem:s13+$0x6430];
	_ =	sdelay $0x4  }
0xda: {  	v2 =	vadd.f32 v2, v3;
	_ =	sdelay $0x1  }
0xdb: {  	[tilespmem:v1+s31+$0xB0 ss:$0x1] =	vst.idx.msk $0xffff, v2  }
0xdc: {  	s12 =	simm.s32 @p1 $0x0;
	v2 =	vld.idx.msk [tilespmem:v0+s31+$0x100 ss:$0x1], $0xffff  }
0xdd: {  	s13 =	sadd.s32 $0x40, s12;
	v3 =	vld [tilespmem:s12+$0x6400]  }
0xde: {  	p1 =	sgt.s32 s13, $0x31FF;
	_ =	sdelay $0x3  }
0xdf: {  	v2 =	vadd.f32 v2, v3;
	_ =	sdelay $0x1  }
0xe0: {  	[tilespmem:v1+s31+$0x100 ss:$0x1] =	vst.idx.msk $0xffff, v2  }
0xe1: {  	v2 =	vld.idx.msk [tilespmem:v0+s31+$0x110 ss:$0x1], $0xffff  }
0xe2: {  	v3 =	vld [tilespmem:s12+$0x6410];
	_ =	sdelay $0x4  }
0xe3: {  	v2 =	vadd.f32 v2, v3;
	_ =	sdelay $0x1  }
0xe4: {  	[tilespmem:v1+s31+$0x110 ss:$0x1] =	vst.idx.msk $0xffff, v2  }
0xe5: {  	v2 =	vld.idx.msk [tilespmem:v0+s31+$0x120 ss:$0x1], $0xffff  }
0xe6: {  	v3 =	vld [tilespmem:s12+$0x6420];
	_ =	sdelay $0x4  }
0xe7: {  	v2 =	vadd.f32 v2, v3;
	_ =	sdelay $0x1  }
0xe8: {  	[tilespmem:v1+s31+$0x120 ss:$0x1] =	vst.idx.msk $0xffff, v2  }
0xe9: {  	v2 =	vld.idx.msk [tilespmem:v0+s31+$0x130 ss:$0x1], $0xffff  }
0xea: {  	v3 =	vld [tilespmem:s12+$0x6430];
	_ =	sdelay $0x4  }
0xeb: {  	v2 =	vadd.f32 v2, v3;
	_ =	sdelay $0x1  }
0xec: {  	[tilespmem:v1+s31+$0x130 ss:$0x1] =	vst.idx.msk $0xffff, v2  }
0xed: {  	s13 =	simm.s32 @p1 $0x0;
	v2 =	vld.idx.msk [tilespmem:v0+s31+$0x180 ss:$0x1], $0xffff  }
0xee: {  	s12 =	sadd.s32 $0x40, s13;
	v3 =	vld [tilespmem:s13+$0x6400]  }
0xef: {  	p1 =	sgt.s32 s12, $0x31FF;
	_ =	sdelay $0x3  }
0xf0: {  	v2 =	vadd.f32 v2, v3;
	_ =	sdelay $0x1  }
0xf1: {  	[tilespmem:v1+s31+$0x180 ss:$0x1] =	vst.idx.msk $0xffff, v2  }
0xf2: {  	v2 =	vld.idx.msk [tilespmem:v0+s31+$0x190 ss:$0x1], $0xffff  }
0xf3: {  	v3 =	vld [tilespmem:s13+$0x6410];
	_ =	sdelay $0x4  }
0xf4: {  	v2 =	vadd.f32 v2, v3;
	_ =	sdelay $0x1  }
0xf5: {  	[tilespmem:v1+s31+$0x190 ss:$0x1] =	vst.idx.msk $0xffff, v2  }
0xf6: {  	v2 =	vld.idx.msk [tilespmem:v0+s31+$0x1A0 ss:$0x1], $0xffff  }
0xf7: {  	v3 =	vld [tilespmem:s13+$0x6420];
	_ =	sdelay $0x4  }
0xf8: {  	v2 =	vadd.f32 v2, v3;
	_ =	sdelay $0x1  }
0xf9: {  	[tilespmem:v1+s31+$0x1A0 ss:$0x1] =	vst.idx.msk $0xffff, v2  }
0xfa: {  	v2 =	vld.idx.msk [tilespmem:v0+s31+$0x1B0 ss:$0x1], $0xffff  }
0xfb: {  	v3 =	vld [tilespmem:s13+$0x6430];
	_ =	sdelay $0x4  }
0xfc: {  	v2 =	vadd.f32 v2, v3;
	_ =	sdelay $0x1  }
0xfd: {  	[tilespmem:v1+s31+$0x1B0 ss:$0x1] =	vst.idx.msk $0xffff, v2  }
0xfe: {  	s12 =	simm.s32 @p1 $0x0;
	v2 =	vld.idx.msk [tilespmem:v0+s31+$0x200 ss:$0x1], $0xffff  }
0xff: {  	s13 =	sadd.s32 $0x40, s12;
	v3 =	vld [tilespmem:s12+$0x6400]  }
0x100: {  	p1 =	sgt.s32 s13, $0x31FF;
	_ =	sdelay $0x3  }
0x101: {  	v2 =	vadd.f32 v2, v3;
	_ =	sdelay $0x1  }
0x102: {  	[tilespmem:v1+s31+$0x200 ss:$0x1] =	vst.idx.msk $0xffff, v2  }
0x103: {  	v2 =	vld.idx.msk [tilespmem:v0+s31+$0x210 ss:$0x1], $0xffff  }
0x104: {  	v3 =	vld [tilespmem:s12+$0x6410];
	_ =	sdelay $0x4  }
0x105: {  	v2 =	vadd.f32 v2, v3;
	_ =	sdelay $0x1  }
0x106: {  	[tilespmem:v1+s31+$0x210 ss:$0x1] =	vst.idx.msk $0xffff, v2  }
0x107: {  	v2 =	vld.idx.msk [tilespmem:v0+s31+$0x220 ss:$0x1], $0xffff  }
0x108: {  	v3 =	vld [tilespmem:s12+$0x6420];
	_ =	sdelay $0x4  }
0x109: {  	v2 =	vadd.f32 v2, v3;
	_ =	sdelay $0x1  }
0x10a: {  	[tilespmem:v1+s31+$0x220 ss:$0x1] =	vst.idx.msk $0xffff, v2  }
0x10b: {  	v2 =	vld.idx.msk [tilespmem:v0+s31+$0x230 ss:$0x1], $0xffff  }
0x10c: {  	v3 =	vld [tilespmem:s12+$0x6430];
	_ =	sdelay $0x4  }
0x10d: {  	v2 =	vadd.f32 v2, v3;
	_ =	sdelay $0x1  }
0x10e: {  	[tilespmem:v1+s31+$0x230 ss:$0x1] =	vst.idx.msk $0xffff, v2  }
0x10f: {  	s13 =	simm.s32 @p1 $0x0;
	v2 =	vld.idx.msk [tilespmem:v0+s31+$0x280 ss:$0x1], $0xffff  }
0x110: {  	s12 =	sadd.s32 $0x40, s13;
	v3 =	vld [tilespmem:s13+$0x6400]  }
0x111: {  	p1 =	sgt.s32 s12, $0x31FF;
	_ =	sdelay $0x3  }
0x112: {  	v2 =	vadd.f32 v2, v3;
	_ =	sdelay $0x1  }
0x113: {  	[tilespmem:v1+s31+$0x280 ss:$0x1] =	vst.idx.msk $0xffff, v2  }
0x114: {  	v2 =	vld.idx.msk [tilespmem:v0+s31+$0x290 ss:$0x1], $0xffff  }
0x115: {  	v3 =	vld [tilespmem:s13+$0x6410];
	_ =	sdelay $0x4  }
0x116: {  	v2 =	vadd.f32 v2, v3;
	_ =	sdelay $0x1  }
0x117: {  	[tilespmem:v1+s31+$0x290 ss:$0x1] =	vst.idx.msk $0xffff, v2  }
0x118: {  	v2 =	vld.idx.msk [tilespmem:v0+s31+$0x2A0 ss:$0x1], $0xffff  }
0x119: {  	v3 =	vld [tilespmem:s13+$0x6420];
	_ =	sdelay $0x4  }
0x11a: {  	v2 =	vadd.f32 v2, v3;
	_ =	sdelay $0x1  }
0x11b: {  	[tilespmem:v1+s31+$0x2A0 ss:$0x1] =	vst.idx.msk $0xffff, v2  }
0x11c: {  	v2 =	vld.idx.msk [tilespmem:v0+s31+$0x2B0 ss:$0x1], $0xffff  }
0x11d: {  	v3 =	vld [tilespmem:s13+$0x6430];
	_ =	sdelay $0x4  }
0x11e: {  	v2 =	vadd.f32 v2, v3;
	_ =	sdelay $0x1  }
0x11f: {  	[tilespmem:v1+s31+$0x2B0 ss:$0x1] =	vst.idx.msk $0xffff, v2  }
0x120: {  	s12 =	simm.s32 @p1 $0x0;
	v2 =	vld.idx.msk [tilespmem:v0+s31+$0x300 ss:$0x1], $0xffff  }
0x121: {  	s13 =	sadd.s32 $0x40, s12;
	v3 =	vld [tilespmem:s12+$0x6400]  }
0x122: {  	p1 =	sgt.s32 s13, $0x31FF;
	_ =	sdelay $0x3  }
0x123: {  	v2 =	vadd.f32 v2, v3;
	_ =	sdelay $0x1  }
0x124: {  	[tilespmem:v1+s31+$0x300 ss:$0x1] =	vst.idx.msk $0xffff, v2  }
0x125: {  	v2 =	vld.idx.msk [tilespmem:v0+s31+$0x310 ss:$0x1], $0xffff  }
0x126: {  	v3 =	vld [tilespmem:s12+$0x6410];
	_ =	sdelay $0x4  }
0x127: {  	v2 =	vadd.f32 v2, v3;
	_ =	sdelay $0x1  }
0x128: {  	[tilespmem:v1+s31+$0x310 ss:$0x1] =	vst.idx.msk $0xffff, v2  }
0x129: {  	v2 =	vld.idx.msk [tilespmem:v0+s31+$0x320 ss:$0x1], $0xffff  }
0x12a: {  	v3 =	vld [tilespmem:s12+$0x6420];
	_ =	sdelay $0x4  }
0x12b: {  	v2 =	vadd.f32 v2, v3;
	_ =	sdelay $0x1  }
0x12c: {  	[tilespmem:v1+s31+$0x320 ss:$0x1] =	vst.idx.msk $0xffff, v2  }
0x12d: {  	v2 =	vld.idx.msk [tilespmem:v0+s31+$0x330 ss:$0x1], $0xffff  }
0x12e: {  	v3 =	vld [tilespmem:s12+$0x6430];
	_ =	sdelay $0x4  }
0x12f: {  	v2 =	vadd.f32 v2, v3;
	_ =	sdelay $0x1  }
0x130: {  	[tilespmem:v1+s31+$0x330 ss:$0x1] =	vst.idx.msk $0xffff, v2  }
0x131: {  	s13 =	simm.s32 @p1 $0x0;
	v2 =	vld.idx.msk [tilespmem:v0+s31+$0x380 ss:$0x1], $0xffff  }
0x132: {  	s12 =	sadd.s32 $0x40, s13;
	v3 =	vld [tilespmem:s13+$0x6400]  }
0x133: {  	p1 =	sgt.s32 s12, $0x31FF  }
0x134: {  	s12 =	simm.s32 @p1 $0x0;
	_ =	sdelay $0x2  }
0x135: {  	v2 =	vadd.f32 v2, v3;
	_ =	sdelay $0x1  }
0x136: {  	[tilespmem:v1+s31+$0x380 ss:$0x1] =	vst.idx.msk $0xffff, v2  }
0x137: {  	v2 =	vld.idx.msk [tilespmem:v0+s31+$0x390 ss:$0x1], $0xffff  }
0x138: {  	v3 =	vld [tilespmem:s13+$0x6410];
	_ =	sdelay $0x4  }
0x139: {  	v2 =	vadd.f32 v2, v3;
	_ =	sdelay $0x1  }
0x13a: {  	[tilespmem:v1+s31+$0x390 ss:$0x1] =	vst.idx.msk $0xffff, v2  }
0x13b: {  	v2 =	vld.idx.msk [tilespmem:v0+s31+$0x3A0 ss:$0x1], $0xffff  }
0x13c: {  	v3 =	vld [tilespmem:s13+$0x6420];
	_ =	sdelay $0x4  }
0x13d: {  	v2 =	vadd.f32 v2, v3;
	_ =	sdelay $0x1  }
0x13e: {  	[tilespmem:v1+s31+$0x3A0 ss:$0x1] =	vst.idx.msk $0xffff, v2  }
0x13f: {  	v2 =	vld.idx.msk [tilespmem:v0+s31+$0x3B0 ss:$0x1], $0xffff  }
0x140: {  	v3 =	vld [tilespmem:s13+$0x6430];
	_ =	sdelay $0x1  }
.Ltmp0:
0x141: {  	(pc) =	sbr.rel @p0 .LBB2_3-.Ltmp0, $3  }
0x142: {  	_ =	sdelay $0x1  }
0x143: {  	v2 =	vadd.f32 v2, v3  }
0x144: {  	s10 =	sadd.s32 $0x1000, s10  }
0x145: {  	_ =	sdelay $0x3  }
0x146: {  	s0 =	sshra.s32 s10, $0x2;
	[tilespmem:v1+s31+$0x3B0 ss:$0x1] =	vst.idx.msk $0xffff, v2  }
0x147: {  	v2 =	vld.idx.msk [tilespmem:v0+s0+$0x0 ss:$0x1], $0xffff  }
0x148: {  	v3 =	vld [tilespmem:s12+$0x6400];
	_ =	sdelay $0x4  }
0x149: {  	v2 =	vadd.f32 v2, v3;
	_ =	sdelay $0x1  }
0x14a: {  	[tilespmem:v1+s0+$0x0 ss:$0x1] =	vst.idx.msk $0xffff, v2  }
0x14b: {  	v2 =	vld.idx.msk [tilespmem:v0+s0+$0x10 ss:$0x1], $0xffff  }
0x14c: {  	v33 =	vld [tilespmem:s12+$0x6410];
	_ =	sdelay $0x4  }
0x14d: {  	v2 =	vadd.f32 v2, v33;
	_ =	sdelay $0x1  }
0x14e: {  	[tilespmem:v1+s0+$0x10 ss:$0x1] =	vst.idx.msk $0xffff, v2  }
0x14f: {  	v2 =	vld.idx.msk [tilespmem:v0+s0+$0x20 ss:$0x1], $0xffff  }
0x150: {  	v34 =	vld [tilespmem:s12+$0x6420];
	_ =	sdelay $0x4  }
0x151: {  	v2 =	vadd.f32 v2, v34;
	_ =	sdelay $0x1  }
0x152: {  	[tilespmem:v1+s0+$0x20 ss:$0x1] =	vst.idx.msk $0xffff, v2  }
0x153: {  	v2 =	vld.idx.msk [tilespmem:v0+s0+$0x30 ss:$0x1], $0xffff  }
0x154: {  	v35 =	vld [tilespmem:s12+$0x6430];
	_ =	sdelay $0x4  }
0x155: {  	v2 =	vadd.f32 v2, v35  }
0x156: {  	s10 =	sadd.s32 $0x40, s12  }
0x157: {  	p0 =	sgt.s32 s10, $0x31FF;
	[tilespmem:v1+s0+$0x30 ss:$0x1] =	vst.idx.msk $0xffff, v2  }
0x158: {  	s10 =	simm.s32 @p0 $0x0;
	v2 =	vld.idx.msk [tilespmem:v0+s0+$0x80 ss:$0x1], $0xffff  }
0x159: {  	v36 =	vld [tilespmem:s10+$0x6400];
	_ =	sdelay $0x4  }
0x15a: {  	v2 =	vadd.f32 v2, v36;
	_ =	sdelay $0x1  }
0x15b: {  	[tilespmem:v1+s0+$0x80 ss:$0x1] =	vst.idx.msk $0xffff, v2  }
0x15c: {  	v2 =	vld.idx.msk [tilespmem:v0+s0+$0x90 ss:$0x1], $0xffff  }
0x15d: {  	v37 =	vld [tilespmem:s10+$0x6410];
	_ =	sdelay $0x4  }
0x15e: {  	v2 =	vadd.f32 v2, v37;
	_ =	sdelay $0x1  }
0x15f: {  	[tilespmem:v1+s0+$0x90 ss:$0x1] =	vst.idx.msk $0xffff, v2  }
0x160: {  	v2 =	vld.idx.msk [tilespmem:v0+s0+$0xA0 ss:$0x1], $0xffff  }
0x161: {  	v38 =	vld [tilespmem:s10+$0x6420];
	_ =	sdelay $0x4  }
0x162: {  	v2 =	vadd.f32 v2, v38;
	_ =	sdelay $0x1  }
0x163: {  	[tilespmem:v1+s0+$0xA0 ss:$0x1] =	vst.idx.msk $0xffff, v2  }
0x164: {  	v2 =	vld.idx.msk [tilespmem:v0+s0+$0xB0 ss:$0x1], $0xffff  }
0x165: {  	v39 =	vld [tilespmem:s10+$0x6430];
	_ =	sdelay $0x4  }
0x166: {  	v2 =	vadd.f32 v2, v39  }
0x167: {  	s10 =	sadd.s32 $0x40, s10  }
0x168: {  	p0 =	sgt.s32 s10, $0x31FF;
	[tilespmem:v1+s0+$0xB0 ss:$0x1] =	vst.idx.msk $0xffff, v2  }
0x169: {  	s10 =	simm.s32 @p0 $0x0;
	v2 =	vld.idx.msk [tilespmem:v0+s0+$0x100 ss:$0x1], $0xffff  }
0x16a: {  	v40 =	vld [tilespmem:s10+$0x6400];
	_ =	sdelay $0x4  }
0x16b: {  	v2 =	vadd.f32 v2, v40;
	_ =	sdelay $0x1  }
0x16c: {  	[tilespmem:v1+s0+$0x100 ss:$0x1] =	vst.idx.msk $0xffff, v2  }
0x16d: {  	v2 =	vld.idx.msk [tilespmem:v0+s0+$0x110 ss:$0x1], $0xffff  }
0x16e: {  	v41 =	vld [tilespmem:s10+$0x6410];
	_ =	sdelay $0x4  }
0x16f: {  	v2 =	vadd.f32 v2, v41;
	_ =	sdelay $0x1  }
0x170: {  	[tilespmem:v1+s0+$0x110 ss:$0x1] =	vst.idx.msk $0xffff, v2  }
0x171: {  	v2 =	vld.idx.msk [tilespmem:v0+s0+$0x120 ss:$0x1], $0xffff  }
0x172: {  	v42 =	vld [tilespmem:s10+$0x6420];
	_ =	sdelay $0x4  }
0x173: {  	v2 =	vadd.f32 v2, v42;
	_ =	sdelay $0x1  }
0x174: {  	[tilespmem:v1+s0+$0x120 ss:$0x1] =	vst.idx.msk $0xffff, v2  }
0x175: {  	v2 =	vld.idx.msk [tilespmem:v0+s0+$0x130 ss:$0x1], $0xffff  }
0x176: {  	v43 =	vld [tilespmem:s10+$0x6430];
	_ =	sdelay $0x4  }
0x177: {  	v2 =	vadd.f32 v2, v43  }
0x178: {  	s10 =	sadd.s32 $0x40, s10  }
0x179: {  	p0 =	sgt.s32 s10, $0x31FF;
	[tilespmem:v1+s0+$0x130 ss:$0x1] =	vst.idx.msk $0xffff, v2  }
0x17a: {  	s10 =	simm.s32 @p0 $0x0;
	v2 =	vld.idx.msk [tilespmem:v0+s0+$0x180 ss:$0x1], $0xffff  }
0x17b: {  	v44 =	vld [tilespmem:s10+$0x6400];
	_ =	sdelay $0x4  }
0x17c: {  	v2 =	vadd.f32 v2, v44;
	_ =	sdelay $0x1  }
0x17d: {  	[tilespmem:v1+s0+$0x180 ss:$0x1] =	vst.idx.msk $0xffff, v2  }
0x17e: {  	v2 =	vld.idx.msk [tilespmem:v0+s0+$0x190 ss:$0x1], $0xffff  }
0x17f: {  	v45 =	vld [tilespmem:s10+$0x6410];
	_ =	sdelay $0x4  }
0x180: {  	v2 =	vadd.f32 v2, v45;
	_ =	sdelay $0x1  }
0x181: {  	[tilespmem:v1+s0+$0x190 ss:$0x1] =	vst.idx.msk $0xffff, v2  }
0x182: {  	v2 =	vld.idx.msk [tilespmem:v0+s0+$0x1A0 ss:$0x1], $0xffff  }
0x183: {  	v46 =	vld [tilespmem:s10+$0x6420];
	_ =	sdelay $0x4  }
0x184: {  	v2 =	vadd.f32 v2, v46;
	_ =	sdelay $0x1  }
0x185: {  	[tilespmem:v1+s0+$0x1A0 ss:$0x1] =	vst.idx.msk $0xffff, v2  }
0x186: {  	v2 =	vld.idx.msk [tilespmem:v0+s0+$0x1B0 ss:$0x1], $0xffff  }
0x187: {  	v47 =	vld [tilespmem:s10+$0x6430];
	_ =	sdelay $0x4  }
0x188: {  	v2 =	vadd.f32 v2, v47  }
0x189: {  	s10 =	sadd.s32 $0x40, s10  }
0x18a: {  	p0 =	sgt.s32 s10, $0x31FF;
	[tilespmem:v1+s0+$0x1B0 ss:$0x1] =	vst.idx.msk $0xffff, v2  }
0x18b: {  	s10 =	simm.s32 @p0 $0x0;
	v2 =	vld.idx.msk [tilespmem:v0+s0+$0x200 ss:$0x1], $0xffff  }
0x18c: {  	v48 =	vld [tilespmem:s10+$0x6400];
	_ =	sdelay $0x4  }
0x18d: {  	v2 =	vadd.f32 v2, v48;
	_ =	sdelay $0x1  }
0x18e: {  	[tilespmem:v1+s0+$0x200 ss:$0x1] =	vst.idx.msk $0xffff, v2  }
0x18f: {  	v2 =	vld.idx.msk [tilespmem:v0+s0+$0x210 ss:$0x1], $0xffff  }
0x190: {  	v49 =	vld [tilespmem:s10+$0x6410];
	_ =	sdelay $0x4  }
0x191: {  	v2 =	vadd.f32 v2, v49;
	_ =	sdelay $0x1  }
0x192: {  	[tilespmem:v1+s0+$0x210 ss:$0x1] =	vst.idx.msk $0xffff, v2  }
0x193: {  	v2 =	vld.idx.msk [tilespmem:v0+s0+$0x220 ss:$0x1], $0xffff  }
0x194: {  	v50 =	vld [tilespmem:s10+$0x6420];
	_ =	sdelay $0x4  }
0x195: {  	v2 =	vadd.f32 v2, v50;
	_ =	sdelay $0x1  }
0x196: {  	[tilespmem:v1+s0+$0x220 ss:$0x1] =	vst.idx.msk $0xffff, v2  }
0x197: {  	v2 =	vld.idx.msk [tilespmem:v0+s0+$0x230 ss:$0x1], $0xffff  }
0x198: {  	v51 =	vld [tilespmem:s10+$0x6430];
	_ =	sdelay $0x4  }
0x199: {  	v2 =	vadd.f32 v2, v51  }
0x19a: {  	s10 =	sadd.s32 $0x40, s10  }
0x19b: {  	p0 =	sgt.s32 s10, $0x31FF;
	[tilespmem:v1+s0+$0x230 ss:$0x1] =	vst.idx.msk $0xffff, v2  }
0x19c: {  	s10 =	simm.s32 @p0 $0x0;
	v2 =	vld.idx.msk [tilespmem:v0+s0+$0x280 ss:$0x1], $0xffff  }
0x19d: {  	v52 =	vld [tilespmem:s10+$0x6400];
	_ =	sdelay $0x4  }
0x19e: {  	v2 =	vadd.f32 v2, v52;
	_ =	sdelay $0x1  }
0x19f: {  	[tilespmem:v1+s0+$0x280 ss:$0x1] =	vst.idx.msk $0xffff, v2  }
0x1a0: {  	v2 =	vld.idx.msk [tilespmem:v0+s0+$0x290 ss:$0x1], $0xffff  }
0x1a1: {  	v53 =	vld [tilespmem:s10+$0x6410];
	_ =	sdelay $0x4  }
0x1a2: {  	v2 =	vadd.f32 v2, v53;
	_ =	sdelay $0x1  }
0x1a3: {  	[tilespmem:v1+s0+$0x290 ss:$0x1] =	vst.idx.msk $0xffff, v2  }
0x1a4: {  	v2 =	vld.idx.msk [tilespmem:v0+s0+$0x2A0 ss:$0x1], $0xffff  }
0x1a5: {  	v54 =	vld [tilespmem:s10+$0x6420];
	_ =	sdelay $0x4  }
0x1a6: {  	v2 =	vadd.f32 v2, v54;
	_ =	sdelay $0x1  }
0x1a7: {  	[tilespmem:v1+s0+$0x2A0 ss:$0x1] =	vst.idx.msk $0xffff, v2  }
0x1a8: {  	v2 =	vld.idx.msk [tilespmem:v0+s0+$0x2B0 ss:$0x1], $0xffff  }
0x1a9: {  	v55 =	vld [tilespmem:s10+$0x6430];
	_ =	sdelay $0x4  }
0x1aa: {  	v2 =	vadd.f32 v2, v55  }
0x1ab: {  	s10 =	sadd.s32 $0x40, s10  }
0x1ac: {  	p0 =	sgt.s32 s10, $0x31FF;
	[tilespmem:v1+s0+$0x2B0 ss:$0x1] =	vst.idx.msk $0xffff, v2  }
0x1ad: {  	s10 =	simm.s32 @p0 $0x0;
	v2 =	vld.idx.msk [tilespmem:v0+s0+$0x300 ss:$0x1], $0xffff  }
0x1ae: {  	v56 =	vld [tilespmem:s10+$0x6400];
	_ =	sdelay $0x4  }
0x1af: {  	v2 =	vadd.f32 v2, v56;
	_ =	sdelay $0x1  }
0x1b0: {  	[tilespmem:v1+s0+$0x300 ss:$0x1] =	vst.idx.msk $0xffff, v2  }
0x1b1: {  	v2 =	vld.idx.msk [tilespmem:v0+s0+$0x310 ss:$0x1], $0xffff  }
0x1b2: {  	v57 =	vld [tilespmem:s10+$0x6410];
	_ =	sdelay $0x4  }
0x1b3: {  	v2 =	vadd.f32 v2, v57;
	_ =	sdelay $0x1  }
0x1b4: {  	[tilespmem:v1+s0+$0x310 ss:$0x1] =	vst.idx.msk $0xffff, v2  }
0x1b5: {  	v2 =	vld.idx.msk [tilespmem:v0+s0+$0x320 ss:$0x1], $0xffff  }
0x1b6: {  	v58 =	vld [tilespmem:s10+$0x6420];
	_ =	sdelay $0x4  }
0x1b7: {  	v2 =	vadd.f32 v2, v58;
	_ =	sdelay $0x1  }
0x1b8: {  	[tilespmem:v1+s0+$0x320 ss:$0x1] =	vst.idx.msk $0xffff, v2  }
0x1b9: {  	v2 =	vld.idx.msk [tilespmem:v0+s0+$0x330 ss:$0x1], $0xffff  }
0x1ba: {  	v59 =	vld [tilespmem:s10+$0x6430];
	_ =	sdelay $0x4  }
0x1bb: {  	v2 =	vadd.f32 v2, v59  }
0x1bc: {  	s10 =	sadd.s32 $0x40, s10  }
0x1bd: {  	p0 =	sgt.s32 s10, $0x31FF;
	[tilespmem:v1+s0+$0x330 ss:$0x1] =	vst.idx.msk $0xffff, v2  }
0x1be: {  	s10 =	simm.s32 @p0 $0x0;
	v2 =	vld.idx.msk [tilespmem:v0+s0+$0x380 ss:$0x1], $0xffff  }
0x1bf: {  	v60 =	vld [tilespmem:s10+$0x6400];
	_ =	sdelay $0x4  }
0x1c0: {  	v2 =	vadd.f32 v2, v60;
	_ =	sdelay $0x1  }
0x1c1: {  	[tilespmem:v1+s0+$0x380 ss:$0x1] =	vst.idx.msk $0xffff, v2  }
0x1c2: {  	v2 =	vld.idx.msk [tilespmem:v0+s0+$0x390 ss:$0x1], $0xffff  }
0x1c3: {  	v61 =	vld [tilespmem:s10+$0x6410];
	_ =	sdelay $0x4  }
0x1c4: {  	v2 =	vadd.f32 v2, v61;
	_ =	sdelay $0x1  }
0x1c5: {  	[tilespmem:v1+s0+$0x390 ss:$0x1] =	vst.idx.msk $0xffff, v2  }
0x1c6: {  	v2 =	vld.idx.msk [tilespmem:v0+s0+$0x3A0 ss:$0x1], $0xffff  }
0x1c7: {  	v62 =	vld [tilespmem:s10+$0x6420];
	_ =	sdelay $0x4  }
0x1c8: {  	v2 =	vadd.f32 v2, v62;
	_ =	sdelay $0x1  }
0x1c9: {  	[tilespmem:v1+s0+$0x3A0 ss:$0x1] =	vst.idx.msk $0xffff, v2  }
0x1ca: {  	v63 =	vld.idx.msk [tilespmem:v0+s0+$0x3B0 ss:$0x1], $0xffff  }
0x1cb: {  	v2 =	vld [tilespmem:s10+$0x6430];
	_ =	sdelay $0x3  }
0x1cc: {  	p0 =	sgt.u32 s25, $0x13A  }
0x1cd: {  	s26 =	sadd.s32 s3, s26;
	s12 =	smul.u32 @!p0 $0x140, s25;
	v0 =	vadd.f32 v63, v2  }
0x1ce: {  	s10 =	sshll.u32 s26, $0x4  }
0x1cf: {  	s31 =	sadd.s32 $0x6, s28;
	s10 =	sadd.s32 s6, s10;
	[tilespmem:v1+s0+$0x3B0 ss:$0x1] =	vst.idx.msk $0xffff, v0;
	s0 =	sshra.s32 @!p0 s12, $0x2  }
0x1d0: {  	[hbm4b:s10+s2] =	stream.linear.scatter [tilespmem:s1], [sflag:s31], $0x2800, $0x38;
	[tilespmem:$0x1D600] =	vst v63  }
0x1d1: {  	s25 =	sadd.s32 $0x1, s25;
	s0 =	sadd.s32 @!p0 $0x190, s0;
	s1 =	simm.s32 @!p0 $0x50  }
0x1d2: {  	[tilespmem:s30], [sflag:s29] =	stream.indirect.gather @!p0 [hbm4b:s4+s1], $0x80, s0, s1, $0xb8;
	[tilespmem:$0x1D600] =	vst v63  }
0x1d3: {  	p0 =	sne.s32 s25, $0x140  }
.Ltmp1:
0x1d4: {  	_ = 	snop;
	(pc) =	sbr.rel @p0 .LBB2_2-.Ltmp1, $2  }
0x1d5: {  	_ =	sdelay $0x2  }
0x1d6: {  	s24 =	sadd.s32 $0xA000, s24  }
0x1d7: {  	_ =	swait.ge [sflag:s20], $0x2800  }
0x1d8: {  	[sflag:s20] =	ssyncset.done $0x0  }
0x1d9: {  	s23 =	sadd.s32 $0x1, s23;
	[sflag:s20] =	ssyncadd.s32 $0xFFFFD800  }
0x1da: {  	p0 =	sne.s32 s23, s8;
	_ =	swait.ge [sflag:s21], $0x2800  }
.Ltmp2:
0x1db: {  	[sflag:s21] =	ssyncset.done $0x0;
	(pc) =	sbr.rel @p0 .LBB2_1-.Ltmp2, $4  }
0x1dc: {  	[sflag:s21] =	ssyncadd.s32 $0xFFFFD800  }
0x1dd: {  	_ =	swait.ge [sflag:s22], $0x2800  }
0x1de: {  	[sflag:s22] =	ssyncset.done $0x0  }
0x1df: {  	[sflag:s22] =	ssyncadd.s32 $0xFFFFD800  }
0x1e0: {  	_ =	sfence.sel $0x180000  }
0x1e1: {  	[bflag:$0x0] =	sbarrier.arrive $0xFFFF  }
0x1e2: {  	_ =	strace $0x90000047  }
0x1e3: {  	s0 =	stileid.u32;
	[bflag:$0x2] =	sbarrier.arrive $0xFFFF  }
0x1e4: {  	p0 =	sne.s32 s0, $0x0;
	s0 =	rddreg [dreg:$0x2]  }
0x1e5: {  	s0 =	sadd.s32 @!p0 $0x100000, s0  }
0x1e6: {  	[sflag:s0] =	ssyncadd.tile.s32 @!p0 $0x1;
	_ =	shalt  }
.Lfunc_end2:
_tile_overlayer_lowered:
.L_overlay_start_2:
0x1e7: {  	(tag) =	ssettag $0x2  }
0x1e8: {  	s0 =	rddreg [dreg:$0x0];
	s2 =	stileid.u32  }
0x1e9: {  	s1 =	rddreg [dreg:$0x1];
	p0 =	sne.s32 s2, $0x0  }
0x1ea: {  	s3 =	rddreg [dreg:$0x2];
	[bflag:$0x3] =	sbarrier.arrive $0xFFFF;
	s2 =	simm.s32 @!p0 $0x1C09  }
0x1eb: {  	[timem:s3], [sflag:s2] =	dma.local @!p0 [hbm:s0], s1  }
0x1ec: {  	s0 =	simm.s32 @!p0 $0x9  }
0x1ed: {  	_ =	swait.ge @!p0 [sflag:s0], s1  }
0x1ee: {  	s1 =	ssub.s32 @!p0 $0x0, s1;
	[sflag:s0] =	ssyncset.done @!p0 $0x0  }
0x1ef: {  	[sflag:s0] =	ssyncadd.s32 @!p0 s1  }
0x1f0: {  	[bflag:$0x3] =	sbarrier.arrive $0xFFFF  }
0x1f1: {  	_ =	shalt  }

// kernel: sparse-core-data-format-call.cloned.1.call-start
scs
called_computation_lowered:
.L_overlay_start_0:
0x0: {  	s2 =	sld [smem:$0x3FD9]  }
0x1: {  	s3 =	sld [smem:$0x3FFE];
	_ =	sdelay $0x1  }
0x2: {  	s1 =	srdreg.scid  }
0x3: {  	s0 =	sand.u32 $0x1, s1  }
0x4: {  	s18 =	sshll.u32 s0, $0xA;
	s2 =	sadd.s32 s3, s2  }
0x5: {  	s2 =	sadd.s32 s2, s18  }
0x6: {  	[smem:$0x3FC6] =	sst s2  }
0x7: {  	_ = 	snop  }
0x8: {  	s2 =	sld [smem:$0x3FD0];
	(tm) =	ssettm $0x1  }
0x9: {  	s19 =	sld [smem:$0x3FFB];
	_ =	sdelay $0x3  }
0xa: {  	_ =	strace s19  }
0xb: {  	s3 =	sld [smem:$0x3FFC];
	_ =	sdelay $0x3  }
0xc: {  	_ =	strace s3  }
0xd: {  	s3 =	sld [smem:$0x3FFD];
	_ =	sdelay $0x3  }
0xe: {  	_ =	strace s3  }
0xf: {  	_ =	strace $0x8FFFFFFF  }
0x10: {  	s20 =	sld [smem:$0x3FDB];
	_ =	sdelay $0x1  }
0x11: {  	s4 =	simm.s32 $_scs_section_size  }
0x12: {  	s5 =	simm.s32 $_size__tile_overlayer_lowered;
	s6 =	simm.s32 $_tile_overlayer_lowered  }
0x13: {  	s23 =	simm.s32 $0x1BFF;
	s22 =	sshll.u32 s6, $0x1;
	s3 =	sadd.s32 s4, s20  }
0x14: {  	s7 =	simm.s32 $0x0;
	s21 =	sshll.u32 s5, $0x1;
	s5 =	sadd.s32 s22, s3  }
0x15: {  	[timem:s7], [sflag:s23] =	dma.local [hbm:s5], s21  }
0x16: {  	_ =	swait.ge [sflag:s23], s21  }
0x17: {  	s4 =	ssub.s32 $0x0, s21;
	[sflag:s23] =	ssyncset.done $0x0  }
0x18: {  	[sflag:s23] =	ssyncadd.s32 s4;
	_ =	sdelay $0x1  }
0x19: {  	s24 =	simm.s32 $0x1B8B  }
0x1a: {  	_ =	swait.ge [sflag:s24], $0x1  }
0x1b: {  	[sflag:s24] =	ssyncset.done $0x0  }
0x1c: {  	s26 =	simm.s32 $0x1B8E;
	s25 =	sld [smem:$0x3FFE];
	[sflag:s24] =	ssyncadd.s32 $0xFFFFFFFF  }
0x1d: {  	s27 =	simm.s32 $execute0_lowered;
	[smem:$0x3FD2] =	sst s26  }
0x1e: {  	s5 =	sshll.u32 s27, $0x1;
	_ =	strace $0x80000049;
	[dreg:$0x1] =	wrdreg $0xFFFFFFFF  }
0x1f: {  	s28 =	simm.s32 $_size_execute0_lowered;
	s3 =	sadd.s32 s3, s5;
	[dreg:$0x0] =	wrdreg $0x0  }
0x20: {  	s5 =	sshll.u32 s28, $0x1;
	[dreg:$0x2] =	wrdreg s3  }
0x21: {  	[dreg:$0x3] =	wrdreg s5  }
0x22: {  	[dreg:$0x4] =	wrdreg $0xC0  }
0x23: {  	_ =	task [dreg:s7], $0x5FFFF  }
0x24: {  	[dreg:$0x1] =	wrdreg $0xFFFFFFFF  }
0x25: {  	[dreg:$0x0] =	wrdreg $0x60  }
0x26: {  	[dreg:$0x2] =	wrdreg s25  }
0x27: {  	[dreg:$0x3] =	wrdreg s2  }
0x28: {  	[dreg:$0x4] =	wrdreg $0x9  }
0x29: {  	_ =	task.clear_ibuf [dreg:s7], $0x5FFFF;
	_ =	strace $0x90000049  }
0x2a: {  	s29 =	simm.s32 $0x9;
	_ =	strace $0x8000004B  }
0x2b: {  	_ =	swait.ge [sflag:s29], $0x1  }
0x2c: {  	[sflag:s29] =	ssyncadd.s32 $0xFFFFFFFF  }
0x2d: {  	_ =	strace $0x9000004B  }
0x2e: {  	_ =	sfence  }
0x2f: {  	s30 =	sld [smem:$0x0];
	_ =	sdelay $0x2  }
0x30: {  	s31 =	sshll.u32 s1, $0xD;
	s1 =	sshrl.u32 s1, $0x2  }
0x31: {  	s3 =	sand.u32 $0x4000, s31;
	s1 =	sadd.s32 s1, s30  }
0x32: {  	s0 =	sor.u32 s3, s0;
	s1 =	sshll.u32 s1, $0x11  }
0x33: {  	s0 =	sor.u32 s1, s0  }
0x34: {  	s0 =	sadd.s32 $0x8F2B, s0  }
0x35: {  	[sflag:s0] =	ssyncadd.remote.s32 $0x1  }
0x36: {  	_ =	sfence.sel $0xFFFF  }
0x37: {  	[dreg:$0x0] =	wrdreg $0xFFFFFFFF;
	(pc) =	sbr.abs _section_cstart, $3  }
0x38: {  	[dreg:$0x1] =	wrdreg $0xFFFFFFFF  }
0x39: {  	_ =	task.clear_ibuf [dreg:s7], $0x2FFFF;
	_ =	strace $0x9FFFFFFF  }
0x3a: {  	(tm) =	ssettm $0x7FFFFFFF  }
0x3b: {  	_ =	shalt  }
tec
execute0_lowered:
.L_overlay_start_1:
0x0: {  	(tag) =	ssettag $0x1  }
0x1: {  	s0 =	srdreg.scid  }
0x2: {  	s1 =	sshll.u32 s0, $0x4  }
0x3: {  	s0 =	stileid.u32;
	s1 =	sand.u32 $0x10, s1  }
0x4: {  	s1 =	sor.u32 s0, s1  }
0x5: {  	s6 =	rddreg [dreg:$0x0];
	s4 =	simm.s32 $0x1;
	s2 =	sshll.u32 s1, $0x7  }
0x6: {  	s7 =	simm.s32 $0x2;
	s12 =	simm.s32 $0x0;
	s1 =	ssub.s32 $0x1000, s2  }
0x7: {  	s8 =	simm.s32 $0x8000;
	s13 =	simm.s32 $0x0;
	s3 =	sand.u32 $0xF80, s1  }
0x8: {  	s9 =	simm.s32 $0x0;
	s5 =	sshrl.u32 s1, $0xC;
	p0 =	sne.s32 s3, $0x0  }
.Ltmp0:
0x9: {  	s1 =	rddreg [dreg:$0x2];
	s4 =	simm.s32 @!p0 $0x0;
	(pc) =	sbr.rel .LBB1_1-.Ltmp0, $4  }
0xa: {  	s11 =	simm.s32 $0x0;
	s3 =	rddreg [dreg:$0x1];
	s5 =	sadd.s32 s4, s5  }
0xb: {  	_ =	strace $0x8000004A;
	s4 =	simm.s32 $0x1;
	s5 =	smul.u32 $0xC8, s5  }
0xc: {  	s6 =	sadd.s32 $0xF43400, s6;
	s10 =	smov.u32 s2;
	[sflag:s4] =	ssyncpa.u1 $0x0  }
0xd: {  	p0 =	por $0x0, $0x0;
	[sflag:s7] =	ssyncpa.u1 $0x0;
	s7 =	sor.u32 $0x1, s5  }
.LBB1_4:
0xe: {  	s16 =	sshll.u32 s13, $0x3;
	s17 =	sand.u32 $0x78, s13  }
0xf: {  	s30 =	sand.u32 $0x7E00, s13;
	s12 =	sshll.u32 s12, $0xF;
	s16 =	sand.u32 $0xC00, s16  }
0x10: {  	[tilespmem:s15+$0x810 ss:$0x81] =	vst.msk $0xffff, v2;
	s31 =	sand.u32 $0x7, s13;
	s16 =	sor.u32 s17, s16;
	s17 =	sadd.s32 s3, s30  }
0x11: {  	[tilespmem:s15+$0x1020 ss:$0x81] =	vst.msk $0xffff, v0;
	s13 =	sshll.u32 s31, $0x12;
	s12 =	sadd.s32 s12, s17;
	s16 =	sshrl.u32 s16, $0x3  }
0x12: {  	[tilespmem:s15+$0x0 ss:$0x81] =	vst.msk $0xffff, v1;
	s13 =	sor.u32 $0x400, s13;
	s12 =	sadd.s32 s16, s12  }
0x13: {  	[hbm4b:s12+s13] =	stream.strided.scatter [tilespmem:s14], [sflag:$0x2], $0x2000, s8, s13, $0x20;
	[tilespmem:$0x8080] =	vst v63  }
.LBB1_5:
0x14: {  	s14 =	sadd.s32 $0x1, s9  }
0x15: {  	s12 =	sadd.s32 $0x1000, s10;
	s16 =	smov.u32 s10;
	p2 =	sgt.s32 s14, $0xC7  }
0x16: {  	s16 =	smov.u32 @p2 s12  }
0x17: {  	s14 =	simm.s32 @p2 $0x0;
	p2 =	sgt.s32 s16, $0xFFF  }
0x18: {  	s16 =	smov.u32 @p2 s2;
	p2 =	sne.s32 s11, s7  }
.Ltmp1:
0x19: {  	p1 =	slt.u32 s11, $0x2;
	(pc) =	sbr.rel @!p2 .LBB1_6-.Ltmp1, $4  }
0x1a: {  	s15 =	simm.s32 @!p1 $0x2  }
0x1b: {  	s13 =	smov.u32 s10;
	p0 =	por !p0, !p0;
	_ =	swait.ge @!p1 [sflag:s15], $0x2000  }
0x1c: {  	s12 =	smov.u32 s9;
	[sflag:s15] =	ssyncset.done @!p1 $0x0;
	s9 =	smov.u32 s14  }
0x1d: {  	s11 =	sadd.s32 $0x1, s11;
	[sflag:s15] =	ssyncadd.s32 @!p1 $0xFFFFE000;
	s10 =	smov.u32 s16  }
.LBB1_1:
0x1e: {  	p1 =	sge.u32 s11, s5  }
0x1f: {  	s14 =	sand.u32 @!p1 $0x1FFFFFF, s9  }
0x20: {  	s15 =	smulhi.u32 @!p1 $0x147AE15, s14;
	_ =	sdelay $0x1  }
0x21: {  	s15 =	smul.u32 @!p1 $0xC8, s15  }
0x22: {  	s16 =	sxor.u32 @!p1 $0xFFFFFFFF, s11;
	s17 =	smul.u32 @!p1 $0xC80, s10  }
0x23: {  	s31 =	sadd.s32 $0xFFFFFFFF, s11;
	s16 =	sshll.u32 @!p1 s16, $0xD;
	s14 =	ssub.s32 @!p1 s14, s15  }
0x24: {  	s15 =	sand.u32 @!p1 $0x2000, s16;
	s16 =	sadd.s32 @!p1 s6, s17;
	s14 =	sshll.u32 @!p1 s14, $0x4  }
0x25: {  	s17 =	simm.s32 @!p1 $0x6400;
	s14 =	sadd.s32 @!p1 s14, s16;
	s16 =	simm.s32 @!p1 $0x40  }
0x26: {  	[tilespmem:s15], [sflag:$0x1] =	stream.strided.gather @!p1 [hbm4b:s14+s16], $0x2000, s17, s16, $0x38;
	[tilespmem:$0x8080] =	vst v63  }
0x27: {  	p1 =	sge.u32 s31, s5  }
.Ltmp2:
0x28: {  	_ = 	snop;
	(pc) =	sbr.rel @p1 .LBB1_5-.Ltmp2, $1  }
0x29: {  	_ =	sdelay $0x3  }
0x2a: {  	s14 =	simm.s32 $0x1  }
0x2b: {  	_ =	swait.ge [sflag:s4], $0x2000;
	s14 =	simm.s32 @!p0 $0x0  }
0x2c: {  	[sflag:s4] =	ssyncset.done $0x0;
	s15 =	sshll.u32 s14, $0xD  }
0x2d: {  	[sflag:s4] =	ssyncadd.s32 $0xFFFFE000;
	s18 =	sor.u32 $0x20, s15  }
0x2e: {  	s14 =	smul.u32 $0x8100, s14;
	v3 =	vld [tilespmem:s18+$0x10]  }
0x2f: {  	s30 =	sand.u32 $0x1, s11;
	v2 =	vld [tilespmem:s18+$0xFFFFFFF0]  }
0x30: {  	s15 =	smul.u32 $0x8100, s30;
	s14 =	sshrl.u32 s14, $0x2;
	v0 =	vld [tilespmem:s18+$0x0]  }
0x31: {  	v1 =	vld [tilespmem:s18+$0xFFFFFFE0];
	s16 =	sor.u32 $0x4000, s14  }
0x32: {  	s31 =	sshrl.u32 s15, $0x2;
	s15 =	sadd.s32 $0x0, s16  }
0x33: {  	s17 =	simm.s32 $0x4;
	s18 =	sadd.s32 $0x40, s18;
	s14 =	sor.u32 $0x4000, s31;
	[tilespmem:s15+$0x1830 ss:$0x81] =	vst.msk $0xffff, v3  }
.LBB1_3:
0x34: {  	v3 =	vld [tilespmem:s18+$0x10];
	p1 =	sne.s32 s17, $0x1FC;
	[tilespmem:s15+$0x810 ss:$0x81] =	vst.msk $0xffff, v2;
	s19 =	smov.u32 s17;
	s17 =	sadd.s32 $0x4, s17  }
.Ltmp3:
0x35: {  	v2 =	vld [tilespmem:s18+$0xFFFFFFF0];
	[tilespmem:s15+$0x1020 ss:$0x81] =	vst.msk $0xffff, v0;
	(pc) =	sbr.rel @p1 .LBB1_3-.Ltmp3, $4  }
0x36: {  	v0 =	vld [tilespmem:s18+$0x0];
	[tilespmem:s15+$0x0 ss:$0x81] =	vst.msk $0xffff, v1  }
0x37: {  	s15 =	sshra.s32 s19, $0x2;
	v1 =	vld [tilespmem:s18+$0xFFFFFFE0]  }
0x38: {  	s15 =	sadd.s32 s15, s16  }
0x39: {  	s18 =	sadd.s32 $0x40, s18;
	[tilespmem:s15+$0x1830 ss:$0x81] =	vst.msk $0xffff, v3  }
.Ltmp4:
0x3a: {  	_ = 	snop;
	(pc) =	sbr.rel .LBB1_4-.Ltmp4, $1  }
0x3b: {  	_ =	sdelay $0x3  }
.LBB1_6:
0x3c: {  	_ =	sfence.sel $0x180000  }
0x3d: {  	s2 =	simm.s32 $0x1;
	[bflag:$0x0] =	sbarrier.arrive $0xFFFF  }
0x3e: {  	s31 =	simm.s32 $0x2;
	[sflag:s2] =	ssyncpa.u1 $0x1  }
0x3f: {  	[sflag:s31] =	ssyncpa.u1 $0x1  }
0x40: {  	p0 =	sne.s32 s0, $0x0;
	_ =	strace $0x9000004A  }
0x41: {  	s0 =	sadd.s32 @!p0 $0x100000, s1;
	[bflag:$0x2] =	sbarrier.arrive $0xFFFF  }
0x42: {  	[sflag:s0] =	ssyncadd.tile.s32 @!p0 $0x1;
	_ =	shalt  }
.Lfunc_end1:
_tile_overlayer_lowered:
.L_overlay_start_2:
0x43: {  	(tag) =	ssettag $0x2  }
0x44: {  	s0 =	rddreg [dreg:$0x0];
	s2 =	stileid.u32  }
0x45: {  	s1 =	rddreg [dreg:$0x1];
	p0 =	sne.s32 s2, $0x0  }
0x46: {  	s3 =	rddreg [dreg:$0x2];
	[bflag:$0x3] =	sbarrier.arrive $0xFFFF;
	s2 =	simm.s32 @!p0 $0x1C01  }
0x47: {  	[timem:s3], [sflag:s2] =	dma.local @!p0 [hbm:s0], s1  }
0x48: {  	s0 =	simm.s32 @!p0 $0x1  }
0x49: {  	_ =	swait.ge @!p0 [sflag:s0], s1  }
0x4a: {  	s1 =	ssub.s32 @!p0 $0x0, s1;
	[sflag:s0] =	ssyncset.done @!p0 $0x0  }
0x4b: {  	[sflag:s0] =	ssyncadd.s32 @!p0 s1  }
0x4c: {  	[bflag:$0x3] =	sbarrier.arrive $0xFFFF  }
0x4d: {  	_ =	shalt  }

</sc_bundles>
